<compile_context>
chip_gen: v7x
topology: tpu7x:2x2x1
jax: 0.10.2.dev20260603
libtpu: 0.0.44.dev20260713+nightly
codegen_flags: <defaults>
</compile_context>

<pallas_src>
import functools

import jax
import jax.numpy as jnp
from jax import lax
from jax.experimental import pallas as pl
from jax.experimental.pallas import tpu as pltpu
from jax.experimental.pallas import tpu_sc as plsc

Q = 4096
N_TRAIN = 100000
D = 128
K = 16

KB = 4096
NKB = 25
NPAD = KB * NKB
CHUNK = 256
NCHUNK = KB // CHUNK
NSEG = NKB * CHUNK
QB1 = 256
QB2 = 256
PAD_VAL = 1e4

_BIG = 3e38


def _phase1_body(xt_ref, tr_ref, dist_ref, m_ref):
    xt = xt_ref[...]
    tr = tr_ref[...]
    x2 = jnp.sum(xt * xt, axis=1, keepdims=True)
    y2 = jnp.sum(tr * tr, axis=1)[None, :]
    prod = lax.dot_general(xt, tr, (((1,), (1,)), ((), ())),
                           preferred_element_type=jnp.float32)
    d2 = x2 + y2 - 2.0 * prod
    dist = jnp.sqrt(jnp.maximum(d2, 0.0))
    dist_ref[0, 0] = dist
    m = dist[:, 0:CHUNK]
    for i in range(1, NCHUNK):
        m = jnp.minimum(m, dist[:, i * CHUNK:(i + 1) * CHUNK])
    m_ref[...] = m


def _phase2_body(m_ref, seg_ref):
    m = m_ref[...]
    iota = lax.broadcasted_iota(jnp.int32, (QB2, NSEG), 1)
    cols = []
    for _ in range(K):
        v = jnp.min(m, axis=1, keepdims=True)
        idx = jnp.min(jnp.where(m == v, iota, NSEG), axis=1, keepdims=True)
        cols.append(idx)
        m = jnp.where(iota == idx, _BIG, m)
    seg_ref[...] = jnp.concatenate(cols, axis=1)


def _sc_merge16(bv, bc, v, c):
    rv = lax.rev(v, (0,))
    rc = lax.rev(c, (0,))
    keep = bv <= rv
    nv = jnp.where(keep, bv, rv)
    nc = jnp.where(keep, bc, rc)
    return plsc.sort_key_val(nv, nc)


def _phase3_sc(dist_flat, seg_ids):
    info = plsc.get_sparse_core_info()
    nw = info.num_cores * info.num_subcores
    qpw = Q // nw
    mesh = plsc.VectorSubcoreMesh(core_axis_name="c", subcore_axis_name="s")

    @functools.partial(
        pl.kernel, mesh=mesh,
        out_type=jax.ShapeDtypeStruct((Q, K), jnp.int32),
        compiler_params=pltpu.CompilerParams(needs_layout_passes=False),
        scratch_types=[
            pltpu.VMEM((K,), jnp.int32),
            pltpu.VMEM((K * K,), jnp.int32),
            pltpu.VMEM((K * K,), jnp.int32),
            pltpu.VMEM((K * K,), jnp.float32),
            pltpu.VMEM((K,), jnp.int32),
            pltpu.SemaphoreType.DMA,
        ],
    )
    def sc_kernel(dist_hbm, seg_hbm, out_hbm, segv, addrv, colv, valv,
                  outv, sem):
        wid = lax.axis_index("s") * info.num_cores + lax.axis_index("c")
        q0 = wid * qpw

        def body(j, carry):
            q = q0 + j
            pltpu.sync_copy(seg_hbm.at[q], segv)
            seg = segv[...]
            col_base = ((seg >> 8) * KB) + (seg & (CHUNK - 1))
            qoff = ((q >> 8) << 20) + ((q & (QB1 - 1)) << 12)
            addr_base = ((seg >> 8) << 24) + (seg & (CHUNK - 1)) + qoff
            for i in range(NCHUNK):
                colv[pl.ds(i * 16, 16)] = col_base + i * CHUNK
                addrv[pl.ds(i * 16, 16)] = addr_base + i * CHUNK
            pltpu.async_copy(dist_hbm.at[addrv], valv, sem).wait()
            bv, bc = plsc.sort_key_val(valv[pl.ds(0, 16)],
                                       colv[pl.ds(0, 16)])
            for t in range(1, K):
                v, c = plsc.sort_key_val(valv[pl.ds(16 * t, 16)],
                                         colv[pl.ds(16 * t, 16)])
                bv, bc = _sc_merge16(bv, bc, v, c)
            outv[...] = bc
            pltpu.sync_copy(outv, out_hbm.at[q])
            return carry

        lax.fori_loop(0, qpw, body, 0)

    return sc_kernel(dist_flat, seg_ids)


def kernel(X_train, X_test):
    pad = jnp.full((NPAD - N_TRAIN, D), PAD_VAL, dtype=jnp.float32)
    tr = jnp.concatenate([X_train, pad], axis=0)

    dist, m = pl.pallas_call(
        _phase1_body,
        grid=(NKB, Q // QB1),
        in_specs=[
            pl.BlockSpec((QB1, D), lambda k, q: (q, 0)),
            pl.BlockSpec((KB, D), lambda k, q: (k, 0)),
        ],
        out_specs=[
            pl.BlockSpec((1, 1, QB1, KB), lambda k, q: (k, q, 0, 0)),
            pl.BlockSpec((QB1, CHUNK), lambda k, q: (q, k)),
        ],
        out_shape=[
            jax.ShapeDtypeStruct((NKB, Q // QB1, QB1, KB), jnp.float32),
            jax.ShapeDtypeStruct((Q, NSEG), jnp.float32),
        ],
    )(X_test, tr)

    seg_ids = pl.pallas_call(
        _phase2_body,
        grid=(Q // QB2,),
        in_specs=[pl.BlockSpec((QB2, NSEG), lambda q: (q, 0))],
        out_specs=pl.BlockSpec((QB2, K), lambda q: (q, 0)),
        out_shape=jax.ShapeDtypeStruct((Q, K), jnp.int32),
    )(m)

    return _phase3_sc(dist.reshape(Q * NPAD), seg_ids)

# --- scband reference (transcript-rebuilt; emitter-appended) ---
"""Pipeline reference for scband-diff-knn-32968168964100 (READ-ONLY COPY).

The authoritative reference and input builder live on the scoring server;
editing this copy changes nothing except your own understanding.
"""

import jax, jax.numpy as jnp
import numpy as np

N_NEIGHBORS = 16

def setup_inputs(seed: int = 0) -> dict:
    key = jax.random.key(seed)
    k1, k2 = jax.random.split(key)
    X_train = jax.random.normal(k1, (100000, 128), dtype=jnp.float32)
    X_test = jax.random.normal(k2, (4096, 128), dtype=jnp.float32)
    return {"X_train": X_train, "X_test": X_test}

def reference(X_train, X_test):
    # torch.cdist(X_test, X_train) with p=2 (Euclidean), via the matmul expansion
    x2 = jnp.sum(X_test * X_test, axis=1, keepdims=True)        # [Q, 1]
    y2 = jnp.sum(X_train * X_train, axis=1)[None, :]            # [1, K]
    d2 = x2 + y2 - 2.0 * (X_test @ X_train.T)                   # [Q, K]
    dists = jnp.sqrt(jnp.maximum(d2, 0.0))
    # topk smallest -> top_k on negated distances
    _, idxs = jax.lax.top_k(-dists, N_NEIGHBORS)
    return idxs

if __name__ == "__main__":
    import jax
    _d = setup_inputs()
    print(jax.jit(kernel)(*tuple(_d.values())))

</pallas_src>

<mosaic_0001>
#map = affine_map<(d0, d1) -> (0)>
#map1 = affine_map<(d0, d1) -> (0, 0)>
module attributes {stable_mosaic.version = 14 : i64} {
  func.func @sc_kernel(%arg0: i32, %arg1: i32, %arg2: memref<419430400xf32, #tpu.memory_space<hbm>>, %arg3: memref<4096x16xi32, #tpu.memory_space<hbm>>, %arg4: memref<4096x16xi32, #tpu.memory_space<hbm>>, %arg5: memref<16xi32, #tpu.memory_space<vmem>>, %arg6: memref<256xi32, #tpu.memory_space<vmem>>, %arg7: memref<256xi32, #tpu.memory_space<vmem>>, %arg8: memref<256xf32, #tpu.memory_space<vmem>>, %arg9: memref<16xi32, #tpu.memory_space<vmem>>, %arg10: memref<!tpu.dma_semaphore, #tpu.memory_space<semaphore_mem>>) attributes {dimension_semantics = [#tpu.dimension_semantics<core_parallel>, #tpu.dimension_semantics<subcore_parallel>], iteration_bounds = array<i64: 2, 16>, scalar_prefetch = 0 : i64, scratch_operands = 6 : i64, tpu.core_type = #tpu.core_type<sc_vector_subcore>, window_params = [{transform_indices = #map}, {transform_indices = #map1}, {transform_indices = #map1}]} {
    %mul3A = arith.constant 2 : i32
    %mul3A_0 = arith.muli %arg1, %mul3A : i32
    %add3A = arith.addi %mul3A_0, %arg0 : i32
    %mul3A_1 = arith.constant 128 : i32
    %mul3A_2 = arith.muli %add3A, %mul3A_1 : i32
    %scan3A = arith.constant 0 : i32
    %scan3A_3 = arith.constant 0 : i32
    %scan3A_4 = arith.constant 128 : i32
    %scan3A_5 = arith.addi %scan3A_3, %scan3A_4 : i32
    %scan3A_6 = arith.constant 1 : i32
    scf.for %scan3A_8 = %scan3A_3 to %scan3A_5 step %scan3A_6  : i32 {
      %add3A_9 = arith.addi %mul3A_2, %scan3A_8 : i32
      "tpu.region"() ({
        %run_scoped3A = tpu.sem_alloc : memref<!tpu.dma_semaphore, #tpu.memory_space<semaphore_mem>>
        %dma_start3A_581 = arith.constant 0 : i32
        %dma_start3A_582 = tpu.memref_slice %arg3[%add3A_9, %dma_start3A_581] : memref<4096x16xi32, #tpu.memory_space<hbm>> -> memref<1x16xi32, #tpu.memory_space<hbm>>
        %dma_start3A_583 = tpu.memref_squeeze %dma_start3A_582 : memref<1x16xi32, #tpu.memory_space<hbm>> -> memref<16xi32, #tpu.memory_space<hbm>>
        %dma_start3A_584 = arith.constant 0 : i32
        %dma_start3A_585 = tpu.memref_slice %arg3[%add3A_9, %dma_start3A_584] : memref<4096x16xi32, #tpu.memory_space<hbm>> -> memref<1x16xi32, #tpu.memory_space<hbm>>
        %dma_start3A_586 = tpu.memref_squeeze %dma_start3A_585 : memref<1x16xi32, #tpu.memory_space<hbm>> -> memref<16xi32, #tpu.memory_space<hbm>>
        tpu.enqueue_dma source(%dma_start3A_586 : memref<16xi32, #tpu.memory_space<hbm>>) target(%arg5 : memref<16xi32, #tpu.memory_space<vmem>>) target_semaphore(%run_scoped3A : memref<!tpu.dma_semaphore, #tpu.memory_space<semaphore_mem>>)
        %dma_wait3A_587 = arith.constant 0 : i32
        %dma_wait3A_588 = tpu.memref_slice %arg3[%add3A_9, %dma_wait3A_587] : memref<4096x16xi32, #tpu.memory_space<hbm>> -> memref<1x16xi32, #tpu.memory_space<hbm>>
        %dma_wait3A_589 = tpu.memref_squeeze %dma_wait3A_588 : memref<1x16xi32, #tpu.memory_space<hbm>> -> memref<16xi32, #tpu.memory_space<hbm>>
        %dma_wait3A_590 = arith.constant 0 : i32
        %dma_wait3A_591 = tpu.memref_slice %arg3[%add3A_9, %dma_wait3A_590] : memref<4096x16xi32, #tpu.memory_space<hbm>> -> memref<1x16xi32, #tpu.memory_space<hbm>>
        %dma_wait3A_592 = tpu.memref_squeeze %dma_wait3A_591 : memref<1x16xi32, #tpu.memory_space<hbm>> -> memref<16xi32, #tpu.memory_space<hbm>>
        tpu.wait_dma2 semaphore(%run_scoped3A : memref<!tpu.dma_semaphore, #tpu.memory_space<semaphore_mem>>) src(%dma_wait3A_592 : memref<16xi32, #tpu.memory_space<hbm>>) dst(%arg5 : memref<16xi32, #tpu.memory_space<vmem>>)
        tpu.yield
      }) : () -> ()
      %get3A = arith.constant 0 : index
      %get3A_10 = tpu.vector_load %arg5[%get3A] {strides = array<i32>} : memref<16xi32, #tpu.memory_space<vmem>>, vector<16xi32>,
      %shift_right_arithmetic3A = arith.constant 8 : i32
      %shift_right_arithmetic3A_11 = vector.broadcast %shift_right_arithmetic3A : i32 to vector<16xi32>
      %shift_right_arithmetic3A_12 = arith.shrsi %get3A_10, %shift_right_arithmetic3A_11 : vector<16xi32>
      %mul3A_13 = arith.constant 4096 : i32
      %mul3A_14 = vector.broadcast %mul3A_13 : i32 to vector<16xi32>
      %mul3A_15 = arith.muli %shift_right_arithmetic3A_12, %mul3A_14 : vector<16xi32>
      %and3A = arith.constant 255 : i32
      %and3A_16 = vector.broadcast %and3A : i32 to vector<16xi32>
      %and3A_17 = arith.andi %get3A_10, %and3A_16 : vector<16xi32>
      %add3A_18 = arith.addi %mul3A_15, %and3A_17 : vector<16xi32>
      %shift_right_arithmetic3A_19 = arith.constant 8 : i32
      %shift_right_arithmetic3A_20 = arith.shrsi %add3A_9, %shift_right_arithmetic3A_19 : i32
      %shift_left3A = arith.constant 20 : i32
      %shift_left3A_21 = arith.shli %shift_right_arithmetic3A_20, %shift_left3A : i32
      %and3A_22 = arith.constant 255 : i32
      %and3A_23 = arith.andi %add3A_9, %and3A_22 : i32
      %shift_left3A_24 = arith.constant 12 : i32
      %shift_left3A_25 = arith.shli %and3A_23, %shift_left3A_24 : i32
      %add3A_26 = arith.addi %shift_left3A_21, %shift_left3A_25 : i32
      %shift_right_arithmetic3A_27 = arith.constant 8 : i32
      %shift_right_arithmetic3A_28 = vector.broadcast %shift_right_arithmetic3A_27 : i32 to vector<16xi32>
      %shift_right_arithmetic3A_29 = arith.shrsi %get3A_10, %shift_right_arithmetic3A_28 : vector<16xi32>
      %shift_left3A_30 = arith.constant 24 : i32
      %shift_left3A_31 = vector.broadcast %shift_left3A_30 : i32 to vector<16xi32>
      %shift_left3A_32 = arith.shli %shift_right_arithmetic3A_29, %shift_left3A_31 : vector<16xi32>
      %and3A_33 = arith.constant 255 : i32
      %and3A_34 = vector.broadcast %and3A_33 : i32 to vector<16xi32>
      %and3A_35 = arith.andi %get3A_10, %and3A_34 : vector<16xi32>
      %add3A_36 = arith.addi %shift_left3A_32, %and3A_35 : vector<16xi32>
      %add3A_37 = vector.broadcast %add3A_26 : i32 to vector<16xi32>
      %add3A_38 = arith.addi %add3A_36, %add3A_37 : vector<16xi32>
      %add3A_39 = arith.constant 0 : i32
      %add3A_40 = vector.broadcast %add3A_39 : i32 to vector<16xi32>
      %add3A_41 = arith.addi %add3A_18, %add3A_40 : vector<16xi32>
      %swap3A = arith.constant 0 : index
      %swap3A_42 = tpu.vector_load %arg7[%swap3A] {strides = array<i32>} : memref<256xi32, #tpu.memory_space<vmem>>, vector<16xi32>,
      tpu.vector_store %arg7[%swap3A], %add3A_41 {strides = array<i32>} : memref<256xi32, #tpu.memory_space<vmem>>, vector<16xi32>,
      %add3A_43 = arith.constant 0 : i32
      %add3A_44 = vector.broadcast %add3A_43 : i32 to vector<16xi32>
      %add3A_45 = arith.addi %add3A_38, %add3A_44 : vector<16xi32>
      %swap3A_46 = arith.constant 0 : index
      %swap3A_47 = tpu.vector_load %arg6[%swap3A_46] {strides = array<i32>} : memref<256xi32, #tpu.memory_space<vmem>>, vector<16xi32>,
      tpu.vector_store %arg6[%swap3A_46], %add3A_45 {strides = array<i32>} : memref<256xi32, #tpu.memory_space<vmem>>, vector<16xi32>,
      %add3A_48 = arith.constant 256 : i32
      %add3A_49 = vector.broadcast %add3A_48 : i32 to vector<16xi32>
      %add3A_50 = arith.addi %add3A_18, %add3A_49 : vector<16xi32>
      %swap3A_51 = arith.constant 16 : index
      %swap3A_52 = tpu.vector_load %arg7[%swap3A_51] {strides = array<i32>} : memref<256xi32, #tpu.memory_space<vmem>>, vector<16xi32>,
      tpu.vector_store %arg7[%swap3A_51], %add3A_50 {strides = array<i32>} : memref<256xi32, #tpu.memory_space<vmem>>, vector<16xi32>,
      %add3A_53 = arith.constant 256 : i32
      %add3A_54 = vector.broadcast %add3A_53 : i32 to vector<16xi32>
      %add3A_55 = arith.addi %add3A_38, %add3A_54 : vector<16xi32>
      %swap3A_56 = arith.constant 16 : index
      %swap3A_57 = tpu.vector_load %arg6[%swap3A_56] {strides = array<i32>} : memref<256xi32, #tpu.memory_space<vmem>>, vector<16xi32>,
      tpu.vector_store %arg6[%swap3A_56], %add3A_55 {strides = array<i32>} : memref<256xi32, #tpu.memory_space<vmem>>, vector<16xi32>,
      %add3A_58 = arith.constant 512 : i32
      %add3A_59 = vector.broadcast %add3A_58 : i32 to vector<16xi32>
      %add3A_60 = arith.addi %add3A_18, %add3A_59 : vector<16xi32>
      %swap3A_61 = arith.constant 32 : index
      %swap3A_62 = tpu.vector_load %arg7[%swap3A_61] {strides = array<i32>} : memref<256xi32, #tpu.memory_space<vmem>>, vector<16xi32>,
      tpu.vector_store %arg7[%swap3A_61], %add3A_60 {strides = array<i32>} : memref<256xi32, #tpu.memory_space<vmem>>, vector<16xi32>,
      %add3A_63 = arith.constant 512 : i32
      %add3A_64 = vector.broadcast %add3A_63 : i32 to vector<16xi32>
      %add3A_65 = arith.addi %add3A_38, %add3A_64 : vector<16xi32>
      %swap3A_66 = arith.constant 32 : index
      %swap3A_67 = tpu.vector_load %arg6[%swap3A_66] {strides = array<i32>} : memref<256xi32, #tpu.memory_space<vmem>>, vector<16xi32>,
      tpu.vector_store %arg6[%swap3A_66], %add3A_65 {strides = array<i32>} : memref<256xi32, #tpu.memory_space<vmem>>, vector<16xi32>,
      %add3A_68 = arith.constant 768 : i32
      %add3A_69 = vector.broadcast %add3A_68 : i32 to vector<16xi32>
      %add3A_70 = arith.addi %add3A_18, %add3A_69 : vector<16xi32>
      %swap3A_71 = arith.constant 48 : index
      %swap3A_72 = tpu.vector_load %arg7[%swap3A_71] {strides = array<i32>} : memref<256xi32, #tpu.memory_space<vmem>>, vector<16xi32>,
      tpu.vector_store %arg7[%swap3A_71], %add3A_70 {strides = array<i32>} : memref<256xi32, #tpu.memory_space<vmem>>, vector<16xi32>,
      %add3A_73 = arith.constant 768 : i32
      %add3A_74 = vector.broadcast %add3A_73 : i32 to vector<16xi32>
      %add3A_75 = arith.addi %add3A_38, %add3A_74 : vector<16xi32>
      %swap3A_76 = arith.constant 48 : index
      %swap3A_77 = tpu.vector_load %arg6[%swap3A_76] {strides = array<i32>} : memref<256xi32, #tpu.memory_space<vmem>>, vector<16xi32>,
      tpu.vector_store %arg6[%swap3A_76], %add3A_75 {strides = array<i32>} : memref<256xi32, #tpu.memory_space<vmem>>, vector<16xi32>,
      %add3A_78 = arith.constant 1024 : i32
      %add3A_79 = vector.broadcast %add3A_78 : i32 to vector<16xi32>
      %add3A_80 = arith.addi %add3A_18, %add3A_79 : vector<16xi32>
      %swap3A_81 = arith.constant 64 : index
      %swap3A_82 = tpu.vector_load %arg7[%swap3A_81] {strides = array<i32>} : memref<256xi32, #tpu.memory_space<vmem>>, vector<16xi32>,
      tpu.vector_store %arg7[%swap3A_81], %add3A_80 {strides = array<i32>} : memref<256xi32, #tpu.memory_space<vmem>>, vector<16xi32>,
      %add3A_83 = arith.constant 1024 : i32
      %add3A_84 = vector.broadcast %add3A_83 : i32 to vector<16xi32>
      %add3A_85 = arith.addi %add3A_38, %add3A_84 : vector<16xi32>
      %swap3A_86 = arith.constant 64 : index
      %swap3A_87 = tpu.vector_load %arg6[%swap3A_86] {strides = array<i32>} : memref<256xi32, #tpu.memory_space<vmem>>, vector<16xi32>,
      tpu.vector_store %arg6[%swap3A_86], %add3A_85 {strides = array<i32>} : memref<256xi32, #tpu.memory_space<vmem>>, vector<16xi32>,
      %add3A_88 = arith.constant 1280 : i32
      %add3A_89 = vector.broadcast %add3A_88 : i32 to vector<16xi32>
      %add3A_90 = arith.addi %add3A_18, %add3A_89 : vector<16xi32>
      %swap3A_91 = arith.constant 80 : index
      %swap3A_92 = tpu.vector_load %arg7[%swap3A_91] {strides = array<i32>} : memref<256xi32, #tpu.memory_space<vmem>>, vector<16xi32>,
      tpu.vector_store %arg7[%swap3A_91], %add3A_90 {strides = array<i32>} : memref<256xi32, #tpu.memory_space<vmem>>, vector<16xi32>,
      %add3A_93 = arith.constant 1280 : i32
      %add3A_94 = vector.broadcast %add3A_93 : i32 to vector<16xi32>
      %add3A_95 = arith.addi %add3A_38, %add3A_94 : vector<16xi32>
      %swap3A_96 = arith.constant 80 : index
      %swap3A_97 = tpu.vector_load %arg6[%swap3A_96] {strides = array<i32>} : memref<256xi32, #tpu.memory_space<vmem>>, vector<16xi32>,
      tpu.vector_store %arg6[%swap3A_96], %add3A_95 {strides = array<i32>} : memref<256xi32, #tpu.memory_space<vmem>>, vector<16xi32>,
      %add3A_98 = arith.constant 1536 : i32
      %add3A_99 = vector.broadcast %add3A_98 : i32 to vector<16xi32>
      %add3A_100 = arith.addi %add3A_18, %add3A_99 : vector<16xi32>
      %swap3A_101 = arith.constant 96 : index
      %swap3A_102 = tpu.vector_load %arg7[%swap3A_101] {strides = array<i32>} : memref<256xi32, #tpu.memory_space<vmem>>, vector<16xi32>,
      tpu.vector_store %arg7[%swap3A_101], %add3A_100 {strides = array<i32>} : memref<256xi32, #tpu.memory_space<vmem>>, vector<16xi32>,
      %add3A_103 = arith.constant 1536 : i32
      %add3A_104 = vector.broadcast %add3A_103 : i32 to vector<16xi32>
      %add3A_105 = arith.addi %add3A_38, %add3A_104 : vector<16xi32>
      %swap3A_106 = arith.constant 96 : index
      %swap3A_107 = tpu.vector_load %arg6[%swap3A_106] {strides = array<i32>} : memref<256xi32, #tpu.memory_space<vmem>>, vector<16xi32>,
      tpu.vector_store %arg6[%swap3A_106], %add3A_105 {strides = array<i32>} : memref<256xi32, #tpu.memory_space<vmem>>, vector<16xi32>,
      %add3A_108 = arith.constant 1792 : i32
      %add3A_109 = vector.broadcast %add3A_108 : i32 to vector<16xi32>
      %add3A_110 = arith.addi %add3A_18, %add3A_109 : vector<16xi32>
      %swap3A_111 = arith.constant 112 : index
      %swap3A_112 = tpu.vector_load %arg7[%swap3A_111] {strides = array<i32>} : memref<256xi32, #tpu.memory_space<vmem>>, vector<16xi32>,
      tpu.vector_store %arg7[%swap3A_111], %add3A_110 {strides = array<i32>} : memref<256xi32, #tpu.memory_space<vmem>>, vector<16xi32>,
      %add3A_113 = arith.constant 1792 : i32
      %add3A_114 = vector.broadcast %add3A_113 : i32 to vector<16xi32>
      %add3A_115 = arith.addi %add3A_38, %add3A_114 : vector<16xi32>
      %swap3A_116 = arith.constant 112 : index
      %swap3A_117 = tpu.vector_load %arg6[%swap3A_116] {strides = array<i32>} : memref<256xi32, #tpu.memory_space<vmem>>, vector<16xi32>,
      tpu.vector_store %arg6[%swap3A_116], %add3A_115 {strides = array<i32>} : memref<256xi32, #tpu.memory_space<vmem>>, vector<16xi32>,
      %add3A_118 = arith.constant 2048 : i32
      %add3A_119 = vector.broadcast %add3A_118 : i32 to vector<16xi32>
      %add3A_120 = arith.addi %add3A_18, %add3A_119 : vector<16xi32>
      %swap3A_121 = arith.constant 128 : index
      %swap3A_122 = tpu.vector_load %arg7[%swap3A_121] {strides = array<i32>} : memref<256xi32, #tpu.memory_space<vmem>>, vector<16xi32>,
      tpu.vector_store %arg7[%swap3A_121], %add3A_120 {strides = array<i32>} : memref<256xi32, #tpu.memory_space<vmem>>, vector<16xi32>,
      %add3A_123 = arith.constant 2048 : i32
      %add3A_124 = vector.broadcast %add3A_123 : i32 to vector<16xi32>
      %add3A_125 = arith.addi %add3A_38, %add3A_124 : vector<16xi32>
      %swap3A_126 = arith.constant 128 : index
      %swap3A_127 = tpu.vector_load %arg6[%swap3A_126] {strides = array<i32>} : memref<256xi32, #tpu.memory_space<vmem>>, vector<16xi32>,
      tpu.vector_store %arg6[%swap3A_126], %add3A_125 {strides = array<i32>} : memref<256xi32, #tpu.memory_space<vmem>>, vector<16xi32>,
      %add3A_128 = arith.constant 2304 : i32
      %add3A_129 = vector.broadcast %add3A_128 : i32 to vector<16xi32>
      %add3A_130 = arith.addi %add3A_18, %add3A_129 : vector<16xi32>
      %swap3A_131 = arith.constant 144 : index
      %swap3A_132 = tpu.vector_load %arg7[%swap3A_131] {strides = array<i32>} : memref<256xi32, #tpu.memory_space<vmem>>, vector<16xi32>,
      tpu.vector_store %arg7[%swap3A_131], %add3A_130 {strides = array<i32>} : memref<256xi32, #tpu.memory_space<vmem>>, vector<16xi32>,
      %add3A_133 = arith.constant 2304 : i32
      %add3A_134 = vector.broadcast %add3A_133 : i32 to vector<16xi32>
      %add3A_135 = arith.addi %add3A_38, %add3A_134 : vector<16xi32>
      %swap3A_136 = arith.constant 144 : index
      %swap3A_137 = tpu.vector_load %arg6[%swap3A_136] {strides = array<i32>} : memref<256xi32, #tpu.memory_space<vmem>>, vector<16xi32>,
      tpu.vector_store %arg6[%swap3A_136], %add3A_135 {strides = array<i32>} : memref<256xi32, #tpu.memory_space<vmem>>, vector<16xi32>,
      %add3A_138 = arith.constant 2560 : i32
      %add3A_139 = vector.broadcast %add3A_138 : i32 to vector<16xi32>
      %add3A_140 = arith.addi %add3A_18, %add3A_139 : vector<16xi32>
      %swap3A_141 = arith.constant 160 : index
      %swap3A_142 = tpu.vector_load %arg7[%swap3A_141] {strides = array<i32>} : memref<256xi32, #tpu.memory_space<vmem>>, vector<16xi32>,
      tpu.vector_store %arg7[%swap3A_141], %add3A_140 {strides = array<i32>} : memref<256xi32, #tpu.memory_space<vmem>>, vector<16xi32>,
      %add3A_143 = arith.constant 2560 : i32
      %add3A_144 = vector.broadcast %add3A_143 : i32 to vector<16xi32>
      %add3A_145 = arith.addi %add3A_38, %add3A_144 : vector<16xi32>
      %swap3A_146 = arith.constant 160 : index
      %swap3A_147 = tpu.vector_load %arg6[%swap3A_146] {strides = array<i32>} : memref<256xi32, #tpu.memory_space<vmem>>, vector<16xi32>,
      tpu.vector_store %arg6[%swap3A_146], %add3A_145 {strides = array<i32>} : memref<256xi32, #tpu.memory_space<vmem>>, vector<16xi32>,
      %add3A_148 = arith.constant 2816 : i32
      %add3A_149 = vector.broadcast %add3A_148 : i32 to vector<16xi32>
      %add3A_150 = arith.addi %add3A_18, %add3A_149 : vector<16xi32>
      %swap3A_151 = arith.constant 176 : index
      %swap3A_152 = tpu.vector_load %arg7[%swap3A_151] {strides = array<i32>} : memref<256xi32, #tpu.memory_space<vmem>>, vector<16xi32>,
      tpu.vector_store %arg7[%swap3A_151], %add3A_150 {strides = array<i32>} : memref<256xi32, #tpu.memory_space<vmem>>, vector<16xi32>,
      %add3A_153 = arith.constant 2816 : i32
      %add3A_154 = vector.broadcast %add3A_153 : i32 to vector<16xi32>
      %add3A_155 = arith.addi %add3A_38, %add3A_154 : vector<16xi32>
      %swap3A_156 = arith.constant 176 : index
      %swap3A_157 = tpu.vector_load %arg6[%swap3A_156] {strides = array<i32>} : memref<256xi32, #tpu.memory_space<vmem>>, vector<16xi32>,
      tpu.vector_store %arg6[%swap3A_156], %add3A_155 {strides = array<i32>} : memref<256xi32, #tpu.memory_space<vmem>>, vector<16xi32>,
      %add3A_158 = arith.constant 3072 : i32
      %add3A_159 = vector.broadcast %add3A_158 : i32 to vector<16xi32>
      %add3A_160 = arith.addi %add3A_18, %add3A_159 : vector<16xi32>
      %swap3A_161 = arith.constant 192 : index
      %swap3A_162 = tpu.vector_load %arg7[%swap3A_161] {strides = array<i32>} : memref<256xi32, #tpu.memory_space<vmem>>, vector<16xi32>,
      tpu.vector_store %arg7[%swap3A_161], %add3A_160 {strides = array<i32>} : memref<256xi32, #tpu.memory_space<vmem>>, vector<16xi32>,
      %add3A_163 = arith.constant 3072 : i32
      %add3A_164 = vector.broadcast %add3A_163 : i32 to vector<16xi32>
      %add3A_165 = arith.addi %add3A_38, %add3A_164 : vector<16xi32>
      %swap3A_166 = arith.constant 192 : index
      %swap3A_167 = tpu.vector_load %arg6[%swap3A_166] {strides = array<i32>} : memref<256xi32, #tpu.memory_space<vmem>>, vector<16xi32>,
      tpu.vector_store %arg6[%swap3A_166], %add3A_165 {strides = array<i32>} : memref<256xi32, #tpu.memory_space<vmem>>, vector<16xi32>,
      %add3A_168 = arith.constant 3328 : i32
      %add3A_169 = vector.broadcast %add3A_168 : i32 to vector<16xi32>
      %add3A_170 = arith.addi %add3A_18, %add3A_169 : vector<16xi32>
      %swap3A_171 = arith.constant 208 : index
      %swap3A_172 = tpu.vector_load %arg7[%swap3A_171] {strides = array<i32>} : memref<256xi32, #tpu.memory_space<vmem>>, vector<16xi32>,
      tpu.vector_store %arg7[%swap3A_171], %add3A_170 {strides = array<i32>} : memref<256xi32, #tpu.memory_space<vmem>>, vector<16xi32>,
      %add3A_173 = arith.constant 3328 : i32
      %add3A_174 = vector.broadcast %add3A_173 : i32 to vector<16xi32>
      %add3A_175 = arith.addi %add3A_38, %add3A_174 : vector<16xi32>
      %swap3A_176 = arith.constant 208 : index
      %swap3A_177 = tpu.vector_load %arg6[%swap3A_176] {strides = array<i32>} : memref<256xi32, #tpu.memory_space<vmem>>, vector<16xi32>,
      tpu.vector_store %arg6[%swap3A_176], %add3A_175 {strides = array<i32>} : memref<256xi32, #tpu.memory_space<vmem>>, vector<16xi32>,
      %add3A_178 = arith.constant 3584 : i32
      %add3A_179 = vector.broadcast %add3A_178 : i32 to vector<16xi32>
      %add3A_180 = arith.addi %add3A_18, %add3A_179 : vector<16xi32>
      %swap3A_181 = arith.constant 224 : index
      %swap3A_182 = tpu.vector_load %arg7[%swap3A_181] {strides = array<i32>} : memref<256xi32, #tpu.memory_space<vmem>>, vector<16xi32>,
      tpu.vector_store %arg7[%swap3A_181], %add3A_180 {strides = array<i32>} : memref<256xi32, #tpu.memory_space<vmem>>, vector<16xi32>,
      %add3A_183 = arith.constant 3584 : i32
      %add3A_184 = vector.broadcast %add3A_183 : i32 to vector<16xi32>
      %add3A_185 = arith.addi %add3A_38, %add3A_184 : vector<16xi32>
      %swap3A_186 = arith.constant 224 : index
      %swap3A_187 = tpu.vector_load %arg6[%swap3A_186] {strides = array<i32>} : memref<256xi32, #tpu.memory_space<vmem>>, vector<16xi32>,
      tpu.vector_store %arg6[%swap3A_186], %add3A_185 {strides = array<i32>} : memref<256xi32, #tpu.memory_space<vmem>>, vector<16xi32>,
      %add3A_188 = arith.constant 3840 : i32
      %add3A_189 = vector.broadcast %add3A_188 : i32 to vector<16xi32>
      %add3A_190 = arith.addi %add3A_18, %add3A_189 : vector<16xi32>
      %swap3A_191 = arith.constant 240 : index
      %swap3A_192 = tpu.vector_load %arg7[%swap3A_191] {strides = array<i32>} : memref<256xi32, #tpu.memory_space<vmem>>, vector<16xi32>,
      tpu.vector_store %arg7[%swap3A_191], %add3A_190 {strides = array<i32>} : memref<256xi32, #tpu.memory_space<vmem>>, vector<16xi32>,
      %add3A_193 = arith.constant 3840 : i32
      %add3A_194 = vector.broadcast %add3A_193 : i32 to vector<16xi32>
      %add3A_195 = arith.addi %add3A_38, %add3A_194 : vector<16xi32>
      %swap3A_196 = arith.constant 240 : index
      %swap3A_197 = tpu.vector_load %arg6[%swap3A_196] {strides = array<i32>} : memref<256xi32, #tpu.memory_space<vmem>>, vector<16xi32>,
      tpu.vector_store %arg6[%swap3A_196], %add3A_195 {strides = array<i32>} : memref<256xi32, #tpu.memory_space<vmem>>, vector<16xi32>,
      %dma_start3A = arith.constant 0 : i32
      %dma_start3A_198 = tpu.memref_slice %arg2[%dma_start3A] : memref<419430400xf32, #tpu.memory_space<hbm>> -> memref<419430400xf32, #tpu.memory_space<hbm>>
      tpu.enqueue_indirect_dma source(%dma_start3A_198 : memref<419430400xf32, #tpu.memory_space<hbm>>) target(%arg8 : memref<256xf32, #tpu.memory_space<vmem>>) offsets(%arg6 : memref<256xi32, #tpu.memory_space<vmem>>) semaphore(%arg10 : memref<!tpu.dma_semaphore, #tpu.memory_space<semaphore_mem>>)
      %dma_wait3A = arith.constant 0 : i32
      %dma_wait3A_199 = tpu.memref_slice %arg2[%dma_wait3A] : memref<419430400xf32, #tpu.memory_space<hbm>> -> memref<419430400xf32, #tpu.memory_space<hbm>>
      tpu.wait_indirect_dma semaphore(%arg10 : memref<!tpu.dma_semaphore, #tpu.memory_space<semaphore_mem>>) src(%dma_wait3A_199 : memref<419430400xf32, #tpu.memory_space<hbm>>) dst(%arg8 : memref<256xf32, #tpu.memory_space<vmem>>)
      %get3A_200 = arith.constant 0 : index
      %get3A_201 = tpu.vector_load %arg8[%get3A_200] {strides = array<i32>} : memref<256xf32, #tpu.memory_space<vmem>>, vector<16xf32>,
      %get3A_202 = arith.constant 0 : index
      %get3A_203 = tpu.vector_load %arg7[%get3A_202] {strides = array<i32>} : memref<256xi32, #tpu.memory_space<vmem>>, vector<16xi32>,
      %masked_sort3A = arith.constant dense<true> : vector<16xi1>
      %masked_sort3A_204, %masked_sort3A_205, %masked_sort3A_206 = tpu.sort %get3A_201, %get3A_203 masked %masked_sort3A : (vector<16xf32>, vector<16xi32>, vector<16xi1>) -> (vector<16xi1>, vector<16xf32>, vector<16xi32>)
      %get3A_207 = arith.constant 16 : index
      %get3A_208 = tpu.vector_load %arg8[%get3A_207] {strides = array<i32>} : memref<256xf32, #tpu.memory_space<vmem>>, vector<16xf32>,
      %get3A_209 = arith.constant 16 : index
      %get3A_210 = tpu.vector_load %arg7[%get3A_209] {strides = array<i32>} : memref<256xi32, #tpu.memory_space<vmem>>, vector<16xi32>,
      %masked_sort3A_211 = arith.constant dense<true> : vector<16xi1>
      %masked_sort3A_212, %masked_sort3A_213, %masked_sort3A_214 = tpu.sort %get3A_208, %get3A_210 masked %masked_sort3A_211 : (vector<16xf32>, vector<16xi32>, vector<16xi1>) -> (vector<16xi1>, vector<16xf32>, vector<16xi32>)
      %rev3A = arith.constant 15 : i32
      %rev3A_215 = vector.broadcast %rev3A : i32 to vector<16xi32>
      %rev3A_216 = tpu.iota {dimensions = array<i32: 0>} : vector<16xi32>
      %rev3A_217 = arith.subi %rev3A_215, %rev3A_216 : vector<16xi32>
      %rev3A_218 = tpu.dynamic_gather %masked_sort3A_213[%rev3A_217] in [0] : vector<16xf32>, vector<16xi32> -> vector<16xf32>
      %rev3A_219 = arith.constant 15 : i32
      %rev3A_220 = vector.broadcast %rev3A_219 : i32 to vector<16xi32>
      %rev3A_221 = tpu.iota {dimensions = array<i32: 0>} : vector<16xi32>
      %rev3A_222 = arith.subi %rev3A_220, %rev3A_221 : vector<16xi32>
      %rev3A_223 = tpu.dynamic_gather %masked_sort3A_214[%rev3A_222] in [0] : vector<16xi32>, vector<16xi32> -> vector<16xi32>
      %le3A = arith.cmpf ole, %masked_sort3A_205, %rev3A_218 : vector<16xf32>
      %select_n3A = arith.select %le3A, %masked_sort3A_205, %rev3A_218 : vector<16xi1>, vector<16xf32>
      %select_n3A_224 = arith.select %le3A, %masked_sort3A_206, %rev3A_223 : vector<16xi1>, vector<16xi32>
      %masked_sort3A_225 = arith.constant dense<true> : vector<16xi1>
      %masked_sort3A_226, %masked_sort3A_227, %masked_sort3A_228 = tpu.sort %select_n3A, %select_n3A_224 masked %masked_sort3A_225 : (vector<16xf32>, vector<16xi32>, vector<16xi1>) -> (vector<16xi1>, vector<16xf32>, vector<16xi32>)
      %get3A_229 = arith.constant 32 : index
      %get3A_230 = tpu.vector_load %arg8[%get3A_229] {strides = array<i32>} : memref<256xf32, #tpu.memory_space<vmem>>, vector<16xf32>,
      %get3A_231 = arith.constant 32 : index
      %get3A_232 = tpu.vector_load %arg7[%get3A_231] {strides = array<i32>} : memref<256xi32, #tpu.memory_space<vmem>>, vector<16xi32>,
      %masked_sort3A_233 = arith.constant dense<true> : vector<16xi1>
      %masked_sort3A_234, %masked_sort3A_235, %masked_sort3A_236 = tpu.sort %get3A_230, %get3A_232 masked %masked_sort3A_233 : (vector<16xf32>, vector<16xi32>, vector<16xi1>) -> (vector<16xi1>, vector<16xf32>, vector<16xi32>)
      %rev3A_237 = arith.constant 15 : i32
      %rev3A_238 = vector.broadcast %rev3A_237 : i32 to vector<16xi32>
      %rev3A_239 = tpu.iota {dimensions = array<i32: 0>} : vector<16xi32>
      %rev3A_240 = arith.subi %rev3A_238, %rev3A_239 : vector<16xi32>
      %rev3A_241 = tpu.dynamic_gather %masked_sort3A_235[%rev3A_240] in [0] : vector<16xf32>, vector<16xi32> -> vector<16xf32>
      %rev3A_242 = arith.constant 15 : i32
      %rev3A_243 = vector.broadcast %rev3A_242 : i32 to vector<16xi32>
      %rev3A_244 = tpu.iota {dimensions = array<i32: 0>} : vector<16xi32>
      %rev3A_245 = arith.subi %rev3A_243, %rev3A_244 : vector<16xi32>
      %rev3A_246 = tpu.dynamic_gather %masked_sort3A_236[%rev3A_245] in [0] : vector<16xi32>, vector<16xi32> -> vector<16xi32>
      %le3A_247 = arith.cmpf ole, %masked_sort3A_227, %rev3A_241 : vector<16xf32>
      %select_n3A_248 = arith.select %le3A_247, %masked_sort3A_227, %rev3A_241 : vector<16xi1>, vector<16xf32>
      %select_n3A_249 = arith.select %le3A_247, %masked_sort3A_228, %rev3A_246 : vector<16xi1>, vector<16xi32>
      %masked_sort3A_250 = arith.constant dense<true> : vector<16xi1>
      %masked_sort3A_251, %masked_sort3A_252, %masked_sort3A_253 = tpu.sort %select_n3A_248, %select_n3A_249 masked %masked_sort3A_250 : (vector<16xf32>, vector<16xi32>, vector<16xi1>) -> (vector<16xi1>, vector<16xf32>, vector<16xi32>)
      %get3A_254 = arith.constant 48 : index
      %get3A_255 = tpu.vector_load %arg8[%get3A_254] {strides = array<i32>} : memref<256xf32, #tpu.memory_space<vmem>>, vector<16xf32>,
      %get3A_256 = arith.constant 48 : index
      %get3A_257 = tpu.vector_load %arg7[%get3A_256] {strides = array<i32>} : memref<256xi32, #tpu.memory_space<vmem>>, vector<16xi32>,
      %masked_sort3A_258 = arith.constant dense<true> : vector<16xi1>
      %masked_sort3A_259, %masked_sort3A_260, %masked_sort3A_261 = tpu.sort %get3A_255, %get3A_257 masked %masked_sort3A_258 : (vector<16xf32>, vector<16xi32>, vector<16xi1>) -> (vector<16xi1>, vector<16xf32>, vector<16xi32>)
      %rev3A_262 = arith.constant 15 : i32
      %rev3A_263 = vector.broadcast %rev3A_262 : i32 to vector<16xi32>
      %rev3A_264 = tpu.iota {dimensions = array<i32: 0>} : vector<16xi32>
      %rev3A_265 = arith.subi %rev3A_263, %rev3A_264 : vector<16xi32>
      %rev3A_266 = tpu.dynamic_gather %masked_sort3A_260[%rev3A_265] in [0] : vector<16xf32>, vector<16xi32> -> vector<16xf32>
      %rev3A_267 = arith.constant 15 : i32
      %rev3A_268 = vector.broadcast %rev3A_267 : i32 to vector<16xi32>
      %rev3A_269 = tpu.iota {dimensions = array<i32: 0>} : vector<16xi32>
      %rev3A_270 = arith.subi %rev3A_268, %rev3A_269 : vector<16xi32>
      %rev3A_271 = tpu.dynamic_gather %masked_sort3A_261[%rev3A_270] in [0] : vector<16xi32>, vector<16xi32> -> vector<16xi32>
      %le3A_272 = arith.cmpf ole, %masked_sort3A_252, %rev3A_266 : vector<16xf32>
      %select_n3A_273 = arith.select %le3A_272, %masked_sort3A_252, %rev3A_266 : vector<16xi1>, vector<16xf32>
      %select_n3A_274 = arith.select %le3A_272, %masked_sort3A_253, %rev3A_271 : vector<16xi1>, vector<16xi32>
      %masked_sort3A_275 = arith.constant dense<true> : vector<16xi1>
      %masked_sort3A_276, %masked_sort3A_277, %masked_sort3A_278 = tpu.sort %select_n3A_273, %select_n3A_274 masked %masked_sort3A_275 : (vector<16xf32>, vector<16xi32>, vector<16xi1>) -> (vector<16xi1>, vector<16xf32>, vector<16xi32>)
      %get3A_279 = arith.constant 64 : index
      %get3A_280 = tpu.vector_load %arg8[%get3A_279] {strides = array<i32>} : memref<256xf32, #tpu.memory_space<vmem>>, vector<16xf32>,
      %get3A_281 = arith.constant 64 : index
      %get3A_282 = tpu.vector_load %arg7[%get3A_281] {strides = array<i32>} : memref<256xi32, #tpu.memory_space<vmem>>, vector<16xi32>,
      %masked_sort3A_283 = arith.constant dense<true> : vector<16xi1>
      %masked_sort3A_284, %masked_sort3A_285, %masked_sort3A_286 = tpu.sort %get3A_280, %get3A_282 masked %masked_sort3A_283 : (vector<16xf32>, vector<16xi32>, vector<16xi1>) -> (vector<16xi1>, vector<16xf32>, vector<16xi32>)
      %rev3A_287 = arith.constant 15 : i32
      %rev3A_288 = vector.broadcast %rev3A_287 : i32 to vector<16xi32>
      %rev3A_289 = tpu.iota {dimensions = array<i32: 0>} : vector<16xi32>
      %rev3A_290 = arith.subi %rev3A_288, %rev3A_289 : vector<16xi32>
      %rev3A_291 = tpu.dynamic_gather %masked_sort3A_285[%rev3A_290] in [0] : vector<16xf32>, vector<16xi32> -> vector<16xf32>
      %rev3A_292 = arith.constant 15 : i32
      %rev3A_293 = vector.broadcast %rev3A_292 : i32 to vector<16xi32>
      %rev3A_294 = tpu.iota {dimensions = array<i32: 0>} : vector<16xi32>
      %rev3A_295 = arith.subi %rev3A_293, %rev3A_294 : vector<16xi32>
      %rev3A_296 = tpu.dynamic_gather %masked_sort3A_286[%rev3A_295] in [0] : vector<16xi32>, vector<16xi32> -> vector<16xi32>
      %le3A_297 = arith.cmpf ole, %masked_sort3A_277, %rev3A_291 : vector<16xf32>
      %select_n3A_298 = arith.select %le3A_297, %masked_sort3A_277, %rev3A_291 : vector<16xi1>, vector<16xf32>
      %select_n3A_299 = arith.select %le3A_297, %masked_sort3A_278, %rev3A_296 : vector<16xi1>, vector<16xi32>
      %masked_sort3A_300 = arith.constant dense<true> : vector<16xi1>
      %masked_sort3A_301, %masked_sort3A_302, %masked_sort3A_303 = tpu.sort %select_n3A_298, %select_n3A_299 masked %masked_sort3A_300 : (vector<16xf32>, vector<16xi32>, vector<16xi1>) -> (vector<16xi1>, vector<16xf32>, vector<16xi32>)
      %get3A_304 = arith.constant 80 : index
      %get3A_305 = tpu.vector_load %arg8[%get3A_304] {strides = array<i32>} : memref<256xf32, #tpu.memory_space<vmem>>, vector<16xf32>,
      %get3A_306 = arith.constant 80 : index
      %get3A_307 = tpu.vector_load %arg7[%get3A_306] {strides = array<i32>} : memref<256xi32, #tpu.memory_space<vmem>>, vector<16xi32>,
      %masked_sort3A_308 = arith.constant dense<true> : vector<16xi1>
      %masked_sort3A_309, %masked_sort3A_310, %masked_sort3A_311 = tpu.sort %get3A_305, %get3A_307 masked %masked_sort3A_308 : (vector<16xf32>, vector<16xi32>, vector<16xi1>) -> (vector<16xi1>, vector<16xf32>, vector<16xi32>)
      %rev3A_312 = arith.constant 15 : i32
      %rev3A_313 = vector.broadcast %rev3A_312 : i32 to vector<16xi32>
      %rev3A_314 = tpu.iota {dimensions = array<i32: 0>} : vector<16xi32>
      %rev3A_315 = arith.subi %rev3A_313, %rev3A_314 : vector<16xi32>
      %rev3A_316 = tpu.dynamic_gather %masked_sort3A_310[%rev3A_315] in [0] : vector<16xf32>, vector<16xi32> -> vector<16xf32>
      %rev3A_317 = arith.constant 15 : i32
      %rev3A_318 = vector.broadcast %rev3A_317 : i32 to vector<16xi32>
      %rev3A_319 = tpu.iota {dimensions = array<i32: 0>} : vector<16xi32>
      %rev3A_320 = arith.subi %rev3A_318, %rev3A_319 : vector<16xi32>
      %rev3A_321 = tpu.dynamic_gather %masked_sort3A_311[%rev3A_320] in [0] : vector<16xi32>, vector<16xi32> -> vector<16xi32>
      %le3A_322 = arith.cmpf ole, %masked_sort3A_302, %rev3A_316 : vector<16xf32>
      %select_n3A_323 = arith.select %le3A_322, %masked_sort3A_302, %rev3A_316 : vector<16xi1>, vector<16xf32>
      %select_n3A_324 = arith.select %le3A_322, %masked_sort3A_303, %rev3A_321 : vector<16xi1>, vector<16xi32>
      %masked_sort3A_325 = arith.constant dense<true> : vector<16xi1>
      %masked_sort3A_326, %masked_sort3A_327, %masked_sort3A_328 = tpu.sort %select_n3A_323, %select_n3A_324 masked %masked_sort3A_325 : (vector<16xf32>, vector<16xi32>, vector<16xi1>) -> (vector<16xi1>, vector<16xf32>, vector<16xi32>)
      %get3A_329 = arith.constant 96 : index
      %get3A_330 = tpu.vector_load %arg8[%get3A_329] {strides = array<i32>} : memref<256xf32, #tpu.memory_space<vmem>>, vector<16xf32>,
      %get3A_331 = arith.constant 96 : index
      %get3A_332 = tpu.vector_load %arg7[%get3A_331] {strides = array<i32>} : memref<256xi32, #tpu.memory_space<vmem>>, vector<16xi32>,
      %masked_sort3A_333 = arith.constant dense<true> : vector<16xi1>
      %masked_sort3A_334, %masked_sort3A_335, %masked_sort3A_336 = tpu.sort %get3A_330, %get3A_332 masked %masked_sort3A_333 : (vector<16xf32>, vector<16xi32>, vector<16xi1>) -> (vector<16xi1>, vector<16xf32>, vector<16xi32>)
      %rev3A_337 = arith.constant 15 : i32
      %rev3A_338 = vector.broadcast %rev3A_337 : i32 to vector<16xi32>
      %rev3A_339 = tpu.iota {dimensions = array<i32: 0>} : vector<16xi32>
      %rev3A_340 = arith.subi %rev3A_338, %rev3A_339 : vector<16xi32>
      %rev3A_341 = tpu.dynamic_gather %masked_sort3A_335[%rev3A_340] in [0] : vector<16xf32>, vector<16xi32> -> vector<16xf32>
      %rev3A_342 = arith.constant 15 : i32
      %rev3A_343 = vector.broadcast %rev3A_342 : i32 to vector<16xi32>
      %rev3A_344 = tpu.iota {dimensions = array<i32: 0>} : vector<16xi32>
      %rev3A_345 = arith.subi %rev3A_343, %rev3A_344 : vector<16xi32>
      %rev3A_346 = tpu.dynamic_gather %masked_sort3A_336[%rev3A_345] in [0] : vector<16xi32>, vector<16xi32> -> vector<16xi32>
      %le3A_347 = arith.cmpf ole, %masked_sort3A_327, %rev3A_341 : vector<16xf32>
      %select_n3A_348 = arith.select %le3A_347, %masked_sort3A_327, %rev3A_341 : vector<16xi1>, vector<16xf32>
      %select_n3A_349 = arith.select %le3A_347, %masked_sort3A_328, %rev3A_346 : vector<16xi1>, vector<16xi32>
      %masked_sort3A_350 = arith.constant dense<true> : vector<16xi1>
      %masked_sort3A_351, %masked_sort3A_352, %masked_sort3A_353 = tpu.sort %select_n3A_348, %select_n3A_349 masked %masked_sort3A_350 : (vector<16xf32>, vector<16xi32>, vector<16xi1>) -> (vector<16xi1>, vector<16xf32>, vector<16xi32>)
      %get3A_354 = arith.constant 112 : index
      %get3A_355 = tpu.vector_load %arg8[%get3A_354] {strides = array<i32>} : memref<256xf32, #tpu.memory_space<vmem>>, vector<16xf32>,
      %get3A_356 = arith.constant 112 : index
      %get3A_357 = tpu.vector_load %arg7[%get3A_356] {strides = array<i32>} : memref<256xi32, #tpu.memory_space<vmem>>, vector<16xi32>,
      %masked_sort3A_358 = arith.constant dense<true> : vector<16xi1>
      %masked_sort3A_359, %masked_sort3A_360, %masked_sort3A_361 = tpu.sort %get3A_355, %get3A_357 masked %masked_sort3A_358 : (vector<16xf32>, vector<16xi32>, vector<16xi1>) -> (vector<16xi1>, vector<16xf32>, vector<16xi32>)
      %rev3A_362 = arith.constant 15 : i32
      %rev3A_363 = vector.broadcast %rev3A_362 : i32 to vector<16xi32>
      %rev3A_364 = tpu.iota {dimensions = array<i32: 0>} : vector<16xi32>
      %rev3A_365 = arith.subi %rev3A_363, %rev3A_364 : vector<16xi32>
      %rev3A_366 = tpu.dynamic_gather %masked_sort3A_360[%rev3A_365] in [0] : vector<16xf32>, vector<16xi32> -> vector<16xf32>
      %rev3A_367 = arith.constant 15 : i32
      %rev3A_368 = vector.broadcast %rev3A_367 : i32 to vector<16xi32>
      %rev3A_369 = tpu.iota {dimensions = array<i32: 0>} : vector<16xi32>
      %rev3A_370 = arith.subi %rev3A_368, %rev3A_369 : vector<16xi32>
      %rev3A_371 = tpu.dynamic_gather %masked_sort3A_361[%rev3A_370] in [0] : vector<16xi32>, vector<16xi32> -> vector<16xi32>
      %le3A_372 = arith.cmpf ole, %masked_sort3A_352, %rev3A_366 : vector<16xf32>
      %select_n3A_373 = arith.select %le3A_372, %masked_sort3A_352, %rev3A_366 : vector<16xi1>, vector<16xf32>
      %select_n3A_374 = arith.select %le3A_372, %masked_sort3A_353, %rev3A_371 : vector<16xi1>, vector<16xi32>
      %masked_sort3A_375 = arith.constant dense<true> : vector<16xi1>
      %masked_sort3A_376, %masked_sort3A_377, %masked_sort3A_378 = tpu.sort %select_n3A_373, %select_n3A_374 masked %masked_sort3A_375 : (vector<16xf32>, vector<16xi32>, vector<16xi1>) -> (vector<16xi1>, vector<16xf32>, vector<16xi32>)
      %get3A_379 = arith.constant 128 : index
      %get3A_380 = tpu.vector_load %arg8[%get3A_379] {strides = array<i32>} : memref<256xf32, #tpu.memory_space<vmem>>, vector<16xf32>,
      %get3A_381 = arith.constant 128 : index
      %get3A_382 = tpu.vector_load %arg7[%get3A_381] {strides = array<i32>} : memref<256xi32, #tpu.memory_space<vmem>>, vector<16xi32>,
      %masked_sort3A_383 = arith.constant dense<true> : vector<16xi1>
      %masked_sort3A_384, %masked_sort3A_385, %masked_sort3A_386 = tpu.sort %get3A_380, %get3A_382 masked %masked_sort3A_383 : (vector<16xf32>, vector<16xi32>, vector<16xi1>) -> (vector<16xi1>, vector<16xf32>, vector<16xi32>)
      %rev3A_387 = arith.constant 15 : i32
      %rev3A_388 = vector.broadcast %rev3A_387 : i32 to vector<16xi32>
      %rev3A_389 = tpu.iota {dimensions = array<i32: 0>} : vector<16xi32>
      %rev3A_390 = arith.subi %rev3A_388, %rev3A_389 : vector<16xi32>
      %rev3A_391 = tpu.dynamic_gather %masked_sort3A_385[%rev3A_390] in [0] : vector<16xf32>, vector<16xi32> -> vector<16xf32>
      %rev3A_392 = arith.constant 15 : i32
      %rev3A_393 = vector.broadcast %rev3A_392 : i32 to vector<16xi32>
      %rev3A_394 = tpu.iota {dimensions = array<i32: 0>} : vector<16xi32>
      %rev3A_395 = arith.subi %rev3A_393, %rev3A_394 : vector<16xi32>
      %rev3A_396 = tpu.dynamic_gather %masked_sort3A_386[%rev3A_395] in [0] : vector<16xi32>, vector<16xi32> -> vector<16xi32>
      %le3A_397 = arith.cmpf ole, %masked_sort3A_377, %rev3A_391 : vector<16xf32>
      %select_n3A_398 = arith.select %le3A_397, %masked_sort3A_377, %rev3A_391 : vector<16xi1>, vector<16xf32>
      %select_n3A_399 = arith.select %le3A_397, %masked_sort3A_378, %rev3A_396 : vector<16xi1>, vector<16xi32>
      %masked_sort3A_400 = arith.constant dense<true> : vector<16xi1>
      %masked_sort3A_401, %masked_sort3A_402, %masked_sort3A_403 = tpu.sort %select_n3A_398, %select_n3A_399 masked %masked_sort3A_400 : (vector<16xf32>, vector<16xi32>, vector<16xi1>) -> (vector<16xi1>, vector<16xf32>, vector<16xi32>)
      %get3A_404 = arith.constant 144 : index
      %get3A_405 = tpu.vector_load %arg8[%get3A_404] {strides = array<i32>} : memref<256xf32, #tpu.memory_space<vmem>>, vector<16xf32>,
      %get3A_406 = arith.constant 144 : index
      %get3A_407 = tpu.vector_load %arg7[%get3A_406] {strides = array<i32>} : memref<256xi32, #tpu.memory_space<vmem>>, vector<16xi32>,
      %masked_sort3A_408 = arith.constant dense<true> : vector<16xi1>
      %masked_sort3A_409, %masked_sort3A_410, %masked_sort3A_411 = tpu.sort %get3A_405, %get3A_407 masked %masked_sort3A_408 : (vector<16xf32>, vector<16xi32>, vector<16xi1>) -> (vector<16xi1>, vector<16xf32>, vector<16xi32>)
      %rev3A_412 = arith.constant 15 : i32
      %rev3A_413 = vector.broadcast %rev3A_412 : i32 to vector<16xi32>
      %rev3A_414 = tpu.iota {dimensions = array<i32: 0>} : vector<16xi32>
      %rev3A_415 = arith.subi %rev3A_413, %rev3A_414 : vector<16xi32>
      %rev3A_416 = tpu.dynamic_gather %masked_sort3A_410[%rev3A_415] in [0] : vector<16xf32>, vector<16xi32> -> vector<16xf32>
      %rev3A_417 = arith.constant 15 : i32
      %rev3A_418 = vector.broadcast %rev3A_417 : i32 to vector<16xi32>
      %rev3A_419 = tpu.iota {dimensions = array<i32: 0>} : vector<16xi32>
      %rev3A_420 = arith.subi %rev3A_418, %rev3A_419 : vector<16xi32>
      %rev3A_421 = tpu.dynamic_gather %masked_sort3A_411[%rev3A_420] in [0] : vector<16xi32>, vector<16xi32> -> vector<16xi32>
      %le3A_422 = arith.cmpf ole, %masked_sort3A_402, %rev3A_416 : vector<16xf32>
      %select_n3A_423 = arith.select %le3A_422, %masked_sort3A_402, %rev3A_416 : vector<16xi1>, vector<16xf32>
      %select_n3A_424 = arith.select %le3A_422, %masked_sort3A_403, %rev3A_421 : vector<16xi1>, vector<16xi32>
      %masked_sort3A_425 = arith.constant dense<true> : vector<16xi1>
      %masked_sort3A_426, %masked_sort3A_427, %masked_sort3A_428 = tpu.sort %select_n3A_423, %select_n3A_424 masked %masked_sort3A_425 : (vector<16xf32>, vector<16xi32>, vector<16xi1>) -> (vector<16xi1>, vector<16xf32>, vector<16xi32>)
      %get3A_429 = arith.constant 160 : index
      %get3A_430 = tpu.vector_load %arg8[%get3A_429] {strides = array<i32>} : memref<256xf32, #tpu.memory_space<vmem>>, vector<16xf32>,
      %get3A_431 = arith.constant 160 : index
      %get3A_432 = tpu.vector_load %arg7[%get3A_431] {strides = array<i32>} : memref<256xi32, #tpu.memory_space<vmem>>, vector<16xi32>,
      %masked_sort3A_433 = arith.constant dense<true> : vector<16xi1>
      %masked_sort3A_434, %masked_sort3A_435, %masked_sort3A_436 = tpu.sort %get3A_430, %get3A_432 masked %masked_sort3A_433 : (vector<16xf32>, vector<16xi32>, vector<16xi1>) -> (vector<16xi1>, vector<16xf32>, vector<16xi32>)
      %rev3A_437 = arith.constant 15 : i32
      %rev3A_438 = vector.broadcast %rev3A_437 : i32 to vector<16xi32>
      %rev3A_439 = tpu.iota {dimensions = array<i32: 0>} : vector<16xi32>
      %rev3A_440 = arith.subi %rev3A_438, %rev3A_439 : vector<16xi32>
      %rev3A_441 = tpu.dynamic_gather %masked_sort3A_435[%rev3A_440] in [0] : vector<16xf32>, vector<16xi32> -> vector<16xf32>
      %rev3A_442 = arith.constant 15 : i32
      %rev3A_443 = vector.broadcast %rev3A_442 : i32 to vector<16xi32>
      %rev3A_444 = tpu.iota {dimensions = array<i32: 0>} : vector<16xi32>
      %rev3A_445 = arith.subi %rev3A_443, %rev3A_444 : vector<16xi32>
      %rev3A_446 = tpu.dynamic_gather %masked_sort3A_436[%rev3A_445] in [0] : vector<16xi32>, vector<16xi32> -> vector<16xi32>
      %le3A_447 = arith.cmpf ole, %masked_sort3A_427, %rev3A_441 : vector<16xf32>
      %select_n3A_448 = arith.select %le3A_447, %masked_sort3A_427, %rev3A_441 : vector<16xi1>, vector<16xf32>
      %select_n3A_449 = arith.select %le3A_447, %masked_sort3A_428, %rev3A_446 : vector<16xi1>, vector<16xi32>
      %masked_sort3A_450 = arith.constant dense<true> : vector<16xi1>
      %masked_sort3A_451, %masked_sort3A_452, %masked_sort3A_453 = tpu.sort %select_n3A_448, %select_n3A_449 masked %masked_sort3A_450 : (vector<16xf32>, vector<16xi32>, vector<16xi1>) -> (vector<16xi1>, vector<16xf32>, vector<16xi32>)
      %get3A_454 = arith.constant 176 : index
      %get3A_455 = tpu.vector_load %arg8[%get3A_454] {strides = array<i32>} : memref<256xf32, #tpu.memory_space<vmem>>, vector<16xf32>,
      %get3A_456 = arith.constant 176 : index
      %get3A_457 = tpu.vector_load %arg7[%get3A_456] {strides = array<i32>} : memref<256xi32, #tpu.memory_space<vmem>>, vector<16xi32>,
      %masked_sort3A_458 = arith.constant dense<true> : vector<16xi1>
      %masked_sort3A_459, %masked_sort3A_460, %masked_sort3A_461 = tpu.sort %get3A_455, %get3A_457 masked %masked_sort3A_458 : (vector<16xf32>, vector<16xi32>, vector<16xi1>) -> (vector<16xi1>, vector<16xf32>, vector<16xi32>)
      %rev3A_462 = arith.constant 15 : i32
      %rev3A_463 = vector.broadcast %rev3A_462 : i32 to vector<16xi32>
      %rev3A_464 = tpu.iota {dimensions = array<i32: 0>} : vector<16xi32>
      %rev3A_465 = arith.subi %rev3A_463, %rev3A_464 : vector<16xi32>
      %rev3A_466 = tpu.dynamic_gather %masked_sort3A_460[%rev3A_465] in [0] : vector<16xf32>, vector<16xi32> -> vector<16xf32>
      %rev3A_467 = arith.constant 15 : i32
      %rev3A_468 = vector.broadcast %rev3A_467 : i32 to vector<16xi32>
      %rev3A_469 = tpu.iota {dimensions = array<i32: 0>} : vector<16xi32>
      %rev3A_470 = arith.subi %rev3A_468, %rev3A_469 : vector<16xi32>
      %rev3A_471 = tpu.dynamic_gather %masked_sort3A_461[%rev3A_470] in [0] : vector<16xi32>, vector<16xi32> -> vector<16xi32>
      %le3A_472 = arith.cmpf ole, %masked_sort3A_452, %rev3A_466 : vector<16xf32>
      %select_n3A_473 = arith.select %le3A_472, %masked_sort3A_452, %rev3A_466 : vector<16xi1>, vector<16xf32>
      %select_n3A_474 = arith.select %le3A_472, %masked_sort3A_453, %rev3A_471 : vector<16xi1>, vector<16xi32>
      %masked_sort3A_475 = arith.constant dense<true> : vector<16xi1>
      %masked_sort3A_476, %masked_sort3A_477, %masked_sort3A_478 = tpu.sort %select_n3A_473, %select_n3A_474 masked %masked_sort3A_475 : (vector<16xf32>, vector<16xi32>, vector<16xi1>) -> (vector<16xi1>, vector<16xf32>, vector<16xi32>)
      %get3A_479 = arith.constant 192 : index
      %get3A_480 = tpu.vector_load %arg8[%get3A_479] {strides = array<i32>} : memref<256xf32, #tpu.memory_space<vmem>>, vector<16xf32>,
      %get3A_481 = arith.constant 192 : index
      %get3A_482 = tpu.vector_load %arg7[%get3A_481] {strides = array<i32>} : memref<256xi32, #tpu.memory_space<vmem>>, vector<16xi32>,
      %masked_sort3A_483 = arith.constant dense<true> : vector<16xi1>
      %masked_sort3A_484, %masked_sort3A_485, %masked_sort3A_486 = tpu.sort %get3A_480, %get3A_482 masked %masked_sort3A_483 : (vector<16xf32>, vector<16xi32>, vector<16xi1>) -> (vector<16xi1>, vector<16xf32>, vector<16xi32>)
      %rev3A_487 = arith.constant 15 : i32
      %rev3A_488 = vector.broadcast %rev3A_487 : i32 to vector<16xi32>
      %rev3A_489 = tpu.iota {dimensions = array<i32: 0>} : vector<16xi32>
      %rev3A_490 = arith.subi %rev3A_488, %rev3A_489 : vector<16xi32>
      %rev3A_491 = tpu.dynamic_gather %masked_sort3A_485[%rev3A_490] in [0] : vector<16xf32>, vector<16xi32> -> vector<16xf32>
      %rev3A_492 = arith.constant 15 : i32
      %rev3A_493 = vector.broadcast %rev3A_492 : i32 to vector<16xi32>
      %rev3A_494 = tpu.iota {dimensions = array<i32: 0>} : vector<16xi32>
      %rev3A_495 = arith.subi %rev3A_493, %rev3A_494 : vector<16xi32>
      %rev3A_496 = tpu.dynamic_gather %masked_sort3A_486[%rev3A_495] in [0] : vector<16xi32>, vector<16xi32> -> vector<16xi32>
      %le3A_497 = arith.cmpf ole, %masked_sort3A_477, %rev3A_491 : vector<16xf32>
      %select_n3A_498 = arith.select %le3A_497, %masked_sort3A_477, %rev3A_491 : vector<16xi1>, vector<16xf32>
      %select_n3A_499 = arith.select %le3A_497, %masked_sort3A_478, %rev3A_496 : vector<16xi1>, vector<16xi32>
      %masked_sort3A_500 = arith.constant dense<true> : vector<16xi1>
      %masked_sort3A_501, %masked_sort3A_502, %masked_sort3A_503 = tpu.sort %select_n3A_498, %select_n3A_499 masked %masked_sort3A_500 : (vector<16xf32>, vector<16xi32>, vector<16xi1>) -> (vector<16xi1>, vector<16xf32>, vector<16xi32>)
      %get3A_504 = arith.constant 208 : index
      %get3A_505 = tpu.vector_load %arg8[%get3A_504] {strides = array<i32>} : memref<256xf32, #tpu.memory_space<vmem>>, vector<16xf32>,
      %get3A_506 = arith.constant 208 : index
      %get3A_507 = tpu.vector_load %arg7[%get3A_506] {strides = array<i32>} : memref<256xi32, #tpu.memory_space<vmem>>, vector<16xi32>,
      %masked_sort3A_508 = arith.constant dense<true> : vector<16xi1>
      %masked_sort3A_509, %masked_sort3A_510, %masked_sort3A_511 = tpu.sort %get3A_505, %get3A_507 masked %masked_sort3A_508 : (vector<16xf32>, vector<16xi32>, vector<16xi1>) -> (vector<16xi1>, vector<16xf32>, vector<16xi32>)
      %rev3A_512 = arith.constant 15 : i32
      %rev3A_513 = vector.broadcast %rev3A_512 : i32 to vector<16xi32>
      %rev3A_514 = tpu.iota {dimensions = array<i32: 0>} : vector<16xi32>
      %rev3A_515 = arith.subi %rev3A_513, %rev3A_514 : vector<16xi32>
      %rev3A_516 = tpu.dynamic_gather %masked_sort3A_510[%rev3A_515] in [0] : vector<16xf32>, vector<16xi32> -> vector<16xf32>
      %rev3A_517 = arith.constant 15 : i32
      %rev3A_518 = vector.broadcast %rev3A_517 : i32 to vector<16xi32>
      %rev3A_519 = tpu.iota {dimensions = array<i32: 0>} : vector<16xi32>
      %rev3A_520 = arith.subi %rev3A_518, %rev3A_519 : vector<16xi32>
      %rev3A_521 = tpu.dynamic_gather %masked_sort3A_511[%rev3A_520] in [0] : vector<16xi32>, vector<16xi32> -> vector<16xi32>
      %le3A_522 = arith.cmpf ole, %masked_sort3A_502, %rev3A_516 : vector<16xf32>
      %select_n3A_523 = arith.select %le3A_522, %masked_sort3A_502, %rev3A_516 : vector<16xi1>, vector<16xf32>
      %select_n3A_524 = arith.select %le3A_522, %masked_sort3A_503, %rev3A_521 : vector<16xi1>, vector<16xi32>
      %masked_sort3A_525 = arith.constant dense<true> : vector<16xi1>
      %masked_sort3A_526, %masked_sort3A_527, %masked_sort3A_528 = tpu.sort %select_n3A_523, %select_n3A_524 masked %masked_sort3A_525 : (vector<16xf32>, vector<16xi32>, vector<16xi1>) -> (vector<16xi1>, vector<16xf32>, vector<16xi32>)
      %get3A_529 = arith.constant 224 : index
      %get3A_530 = tpu.vector_load %arg8[%get3A_529] {strides = array<i32>} : memref<256xf32, #tpu.memory_space<vmem>>, vector<16xf32>,
      %get3A_531 = arith.constant 224 : index
      %get3A_532 = tpu.vector_load %arg7[%get3A_531] {strides = array<i32>} : memref<256xi32, #tpu.memory_space<vmem>>, vector<16xi32>,
      %masked_sort3A_533 = arith.constant dense<true> : vector<16xi1>
      %masked_sort3A_534, %masked_sort3A_535, %masked_sort3A_536 = tpu.sort %get3A_530, %get3A_532 masked %masked_sort3A_533 : (vector<16xf32>, vector<16xi32>, vector<16xi1>) -> (vector<16xi1>, vector<16xf32>, vector<16xi32>)
      %rev3A_537 = arith.constant 15 : i32
      %rev3A_538 = vector.broadcast %rev3A_537 : i32 to vector<16xi32>
      %rev3A_539 = tpu.iota {dimensions = array<i32: 0>} : vector<16xi32>
      %rev3A_540 = arith.subi %rev3A_538, %rev3A_539 : vector<16xi32>
      %rev3A_541 = tpu.dynamic_gather %masked_sort3A_535[%rev3A_540] in [0] : vector<16xf32>, vector<16xi32> -> vector<16xf32>
      %rev3A_542 = arith.constant 15 : i32
      %rev3A_543 = vector.broadcast %rev3A_542 : i32 to vector<16xi32>
      %rev3A_544 = tpu.iota {dimensions = array<i32: 0>} : vector<16xi32>
      %rev3A_545 = arith.subi %rev3A_543, %rev3A_544 : vector<16xi32>
      %rev3A_546 = tpu.dynamic_gather %masked_sort3A_536[%rev3A_545] in [0] : vector<16xi32>, vector<16xi32> -> vector<16xi32>
      %le3A_547 = arith.cmpf ole, %masked_sort3A_527, %rev3A_541 : vector<16xf32>
      %select_n3A_548 = arith.select %le3A_547, %masked_sort3A_527, %rev3A_541 : vector<16xi1>, vector<16xf32>
      %select_n3A_549 = arith.select %le3A_547, %masked_sort3A_528, %rev3A_546 : vector<16xi1>, vector<16xi32>
      %masked_sort3A_550 = arith.constant dense<true> : vector<16xi1>
      %masked_sort3A_551, %masked_sort3A_552, %masked_sort3A_553 = tpu.sort %select_n3A_548, %select_n3A_549 masked %masked_sort3A_550 : (vector<16xf32>, vector<16xi32>, vector<16xi1>) -> (vector<16xi1>, vector<16xf32>, vector<16xi32>)
      %get3A_554 = arith.constant 240 : index
      %get3A_555 = tpu.vector_load %arg8[%get3A_554] {strides = array<i32>} : memref<256xf32, #tpu.memory_space<vmem>>, vector<16xf32>,
      %get3A_556 = arith.constant 240 : index
      %get3A_557 = tpu.vector_load %arg7[%get3A_556] {strides = array<i32>} : memref<256xi32, #tpu.memory_space<vmem>>, vector<16xi32>,
      %masked_sort3A_558 = arith.constant dense<true> : vector<16xi1>
      %masked_sort3A_559, %masked_sort3A_560, %masked_sort3A_561 = tpu.sort %get3A_555, %get3A_557 masked %masked_sort3A_558 : (vector<16xf32>, vector<16xi32>, vector<16xi1>) -> (vector<16xi1>, vector<16xf32>, vector<16xi32>)
      %rev3A_562 = arith.constant 15 : i32
      %rev3A_563 = vector.broadcast %rev3A_562 : i32 to vector<16xi32>
      %rev3A_564 = tpu.iota {dimensions = array<i32: 0>} : vector<16xi32>
      %rev3A_565 = arith.subi %rev3A_563, %rev3A_564 : vector<16xi32>
      %rev3A_566 = tpu.dynamic_gather %masked_sort3A_560[%rev3A_565] in [0] : vector<16xf32>, vector<16xi32> -> vector<16xf32>
      %rev3A_567 = arith.constant 15 : i32
      %rev3A_568 = vector.broadcast %rev3A_567 : i32 to vector<16xi32>
      %rev3A_569 = tpu.iota {dimensions = array<i32: 0>} : vector<16xi32>
      %rev3A_570 = arith.subi %rev3A_568, %rev3A_569 : vector<16xi32>
      %rev3A_571 = tpu.dynamic_gather %masked_sort3A_561[%rev3A_570] in [0] : vector<16xi32>, vector<16xi32> -> vector<16xi32>
      %le3A_572 = arith.cmpf ole, %masked_sort3A_552, %rev3A_566 : vector<16xf32>
      %select_n3A_573 = arith.select %le3A_572, %masked_sort3A_552, %rev3A_566 : vector<16xi1>, vector<16xf32>
      %select_n3A_574 = arith.select %le3A_572, %masked_sort3A_553, %rev3A_571 : vector<16xi1>, vector<16xi32>
      %masked_sort3A_575 = arith.constant dense<true> : vector<16xi1>
      %masked_sort3A_576, %masked_sort3A_577, %masked_sort3A_578 = tpu.sort %select_n3A_573, %select_n3A_574 masked %masked_sort3A_575 : (vector<16xf32>, vector<16xi32>, vector<16xi1>) -> (vector<16xi1>, vector<16xf32>, vector<16xi32>)
      %swap3A_579 = arith.constant 0 : index
      %swap3A_580 = tpu.vector_load %arg9[%swap3A_579] {strides = array<i32>} : memref<16xi32, #tpu.memory_space<vmem>>, vector<16xi32>,
      tpu.vector_store %arg9[%swap3A_579], %masked_sort3A_578 {strides = array<i32>} : memref<16xi32, #tpu.memory_space<vmem>>, vector<16xi32>,
      "tpu.region"() ({
        %run_scoped3A = tpu.sem_alloc : memref<!tpu.dma_semaphore, #tpu.memory_space<semaphore_mem>>
        %dma_start3A_581 = arith.constant 0 : i32
        %dma_start3A_582 = tpu.memref_slice %arg4[%add3A_9, %dma_start3A_581] : memref<4096x16xi32, #tpu.memory_space<hbm>> -> memref<1x16xi32, #tpu.memory_space<hbm>>
        %dma_start3A_583 = tpu.memref_squeeze %dma_start3A_582 : memref<1x16xi32, #tpu.memory_space<hbm>> -> memref<16xi32, #tpu.memory_space<hbm>>
        %dma_start3A_584 = arith.constant 0 : i32
        %dma_start3A_585 = tpu.memref_slice %arg4[%add3A_9, %dma_start3A_584] : memref<4096x16xi32, #tpu.memory_space<hbm>> -> memref<1x16xi32, #tpu.memory_space<hbm>>
        %dma_start3A_586 = tpu.memref_squeeze %dma_start3A_585 : memref<1x16xi32, #tpu.memory_space<hbm>> -> memref<16xi32, #tpu.memory_space<hbm>>
        tpu.enqueue_dma source(%arg9 : memref<16xi32, #tpu.memory_space<vmem>>) target(%dma_start3A_586 : memref<16xi32, #tpu.memory_space<hbm>>) target_semaphore(%run_scoped3A : memref<!tpu.dma_semaphore, #tpu.memory_space<semaphore_mem>>)
        %dma_wait3A_587 = arith.constant 0 : i32
        %dma_wait3A_588 = tpu.memref_slice %arg4[%add3A_9, %dma_wait3A_587] : memref<4096x16xi32, #tpu.memory_space<hbm>> -> memref<1x16xi32, #tpu.memory_space<hbm>>
        %dma_wait3A_589 = tpu.memref_squeeze %dma_wait3A_588 : memref<1x16xi32, #tpu.memory_space<hbm>> -> memref<16xi32, #tpu.memory_space<hbm>>
        %dma_wait3A_590 = arith.constant 0 : i32
        %dma_wait3A_591 = tpu.memref_slice %arg4[%add3A_9, %dma_wait3A_590] : memref<4096x16xi32, #tpu.memory_space<hbm>> -> memref<1x16xi32, #tpu.memory_space<hbm>>
        %dma_wait3A_592 = tpu.memref_squeeze %dma_wait3A_591 : memref<1x16xi32, #tpu.memory_space<hbm>> -> memref<16xi32, #tpu.memory_space<hbm>>
        tpu.wait_dma2 semaphore(%run_scoped3A : memref<!tpu.dma_semaphore, #tpu.memory_space<semaphore_mem>>) src(%arg9 : memref<16xi32, #tpu.memory_space<vmem>>) dst(%dma_wait3A_592 : memref<16xi32, #tpu.memory_space<hbm>>)
        tpu.yield
      }) : () -> ()
    }
    %scan3A_7 = arith.constant 128 : i32
    return
  }
}

module attributes {stable_mosaic.version = 14 : i64} {
  func.func @_phase2_body(%arg0: i32, %arg1: memref<256x6400xf32, #tpu.memory_space<vmem>>, %arg2: memref<256x16xi32, #tpu.memory_space<vmem>>) attributes {dimension_semantics = [#tpu.dimension_semantics<arbitrary>], iteration_bounds = array<i64: 16>, scalar_prefetch = 0 : i64, scratch_operands = 0 : i64, tpu.core_type = #tpu.core_type<tc>, window_params = [{transform_indices = @transform_0, window_bounds = array<i64: 256, 6400>}, {transform_indices = @transform_1, window_bounds = array<i64: 256, 16>}]} {
    %get3A = arith.constant 0 : index
    %get3A_0 = arith.constant 0 : index
    %get3A_1 = vector.load %arg1[%get3A, %get3A_0] : memref<256x6400xf32, #tpu.memory_space<vmem>>, vector<256x6400xf32>
    %iota3A = tpu.iota {dimensions = array<i32: 1>} : vector<256x6400xi32>
    %reduce_min3A = arith.constant dense<0x7F800000> : vector<256xf32>
    %reduce_min3A_2 = vector.multi_reduction <minimumf>, %get3A_1, %reduce_min3A [1] : vector<256x6400xf32> to vector<256xf32>
    %broadcast_in_dim3A = vector.shape_cast %reduce_min3A_2 : vector<256xf32> to vector<256x1xf32>
    %eq3A = vector.broadcast %broadcast_in_dim3A : vector<256x1xf32> to vector<256x6400xf32>
    %eq3A_3 = arith.cmpf oeq, %get3A_1, %eq3A : vector<256x6400xf32>
    %jit3A = arith.constant 6400 : i32
    %broadcast_in_dim3A_4 = vector.broadcast %jit3A : i32 to vector<256x6400xi32>
    %select_n3A = arith.select %eq3A_3, %iota3A, %broadcast_in_dim3A_4 : vector<256x6400xi1>, vector<256x6400xi32>
    %reduce_min3A_5 = arith.constant dense<2147483647> : vector<256xi32>
    %reduce_min3A_6 = vector.multi_reduction <minsi>, %select_n3A, %reduce_min3A_5 [1] : vector<256x6400xi32> to vector<256xi32>
    %broadcast_in_dim3A_7 = vector.shape_cast %reduce_min3A_6 : vector<256xi32> to vector<256x1xi32>
    %eq3A_8 = vector.broadcast %broadcast_in_dim3A_7 : vector<256x1xi32> to vector<256x6400xi32>
    %eq3A_9 = arith.cmpi eq, %iota3A, %eq3A_8 : vector<256x6400xi32>
    %jit3A_10 = arith.constant 3.000000e+38 : f32
    %broadcast_in_dim3A_11 = vector.broadcast %jit3A_10 : f32 to vector<256x6400xf32>
    %select_n3A_12 = arith.select %eq3A_9, %broadcast_in_dim3A_11, %get3A_1 : vector<256x6400xi1>, vector<256x6400xf32>
    %reduce_min3A_13 = arith.constant dense<0x7F800000> : vector<256xf32>
    %reduce_min3A_14 = vector.multi_reduction <minimumf>, %select_n3A_12, %reduce_min3A_13 [1] : vector<256x6400xf32> to vector<256xf32>
    %broadcast_in_dim3A_15 = vector.shape_cast %reduce_min3A_14 : vector<256xf32> to vector<256x1xf32>
    %eq3A_16 = vector.broadcast %broadcast_in_dim3A_15 : vector<256x1xf32> to vector<256x6400xf32>
    %eq3A_17 = arith.cmpf oeq, %select_n3A_12, %eq3A_16 : vector<256x6400xf32>
    %jit3A_18 = arith.constant 6400 : i32
    %broadcast_in_dim3A_19 = vector.broadcast %jit3A_18 : i32 to vector<256x6400xi32>
    %select_n3A_20 = arith.select %eq3A_17, %iota3A, %broadcast_in_dim3A_19 : vector<256x6400xi1>, vector<256x6400xi32>
    %reduce_min3A_21 = arith.constant dense<2147483647> : vector<256xi32>
    %reduce_min3A_22 = vector.multi_reduction <minsi>, %select_n3A_20, %reduce_min3A_21 [1] : vector<256x6400xi32> to vector<256xi32>
    %broadcast_in_dim3A_23 = vector.shape_cast %reduce_min3A_22 : vector<256xi32> to vector<256x1xi32>
    %eq3A_24 = vector.broadcast %broadcast_in_dim3A_23 : vector<256x1xi32> to vector<256x6400xi32>
    %eq3A_25 = arith.cmpi eq, %iota3A, %eq3A_24 : vector<256x6400xi32>
    %jit3A_26 = arith.constant 3.000000e+38 : f32
    %broadcast_in_dim3A_27 = vector.broadcast %jit3A_26 : f32 to vector<256x6400xf32>
    %select_n3A_28 = arith.select %eq3A_25, %broadcast_in_dim3A_27, %select_n3A_12 : vector<256x6400xi1>, vector<256x6400xf32>
    %reduce_min3A_29 = arith.constant dense<0x7F800000> : vector<256xf32>
    %reduce_min3A_30 = vector.multi_reduction <minimumf>, %select_n3A_28, %reduce_min3A_29 [1] : vector<256x6400xf32> to vector<256xf32>
    %broadcast_in_dim3A_31 = vector.shape_cast %reduce_min3A_30 : vector<256xf32> to vector<256x1xf32>
    %eq3A_32 = vector.broadcast %broadcast_in_dim3A_31 : vector<256x1xf32> to vector<256x6400xf32>
    %eq3A_33 = arith.cmpf oeq, %select_n3A_28, %eq3A_32 : vector<256x6400xf32>
    %jit3A_34 = arith.constant 6400 : i32
    %broadcast_in_dim3A_35 = vector.broadcast %jit3A_34 : i32 to vector<256x6400xi32>
    %select_n3A_36 = arith.select %eq3A_33, %iota3A, %broadcast_in_dim3A_35 : vector<256x6400xi1>, vector<256x6400xi32>
    %reduce_min3A_37 = arith.constant dense<2147483647> : vector<256xi32>
    %reduce_min3A_38 = vector.multi_reduction <minsi>, %select_n3A_36, %reduce_min3A_37 [1] : vector<256x6400xi32> to vector<256xi32>
    %broadcast_in_dim3A_39 = vector.shape_cast %reduce_min3A_38 : vector<256xi32> to vector<256x1xi32>
    %eq3A_40 = vector.broadcast %broadcast_in_dim3A_39 : vector<256x1xi32> to vector<256x6400xi32>
    %eq3A_41 = arith.cmpi eq, %iota3A, %eq3A_40 : vector<256x6400xi32>
    %jit3A_42 = arith.constant 3.000000e+38 : f32
    %broadcast_in_dim3A_43 = vector.broadcast %jit3A_42 : f32 to vector<256x6400xf32>
    %select_n3A_44 = arith.select %eq3A_41, %broadcast_in_dim3A_43, %select_n3A_28 : vector<256x6400xi1>, vector<256x6400xf32>
    %reduce_min3A_45 = arith.constant dense<0x7F800000> : vector<256xf32>
    %reduce_min3A_46 = vector.multi_reduction <minimumf>, %select_n3A_44, %reduce_min3A_45 [1] : vector<256x6400xf32> to vector<256xf32>
    %broadcast_in_dim3A_47 = vector.shape_cast %reduce_min3A_46 : vector<256xf32> to vector<256x1xf32>
    %eq3A_48 = vector.broadcast %broadcast_in_dim3A_47 : vector<256x1xf32> to vector<256x6400xf32>
    %eq3A_49 = arith.cmpf oeq, %select_n3A_44, %eq3A_48 : vector<256x6400xf32>
    %jit3A_50 = arith.constant 6400 : i32
    %broadcast_in_dim3A_51 = vector.broadcast %jit3A_50 : i32 to vector<256x6400xi32>
    %select_n3A_52 = arith.select %eq3A_49, %iota3A, %broadcast_in_dim3A_51 : vector<256x6400xi1>, vector<256x6400xi32>
    %reduce_min3A_53 = arith.constant dense<2147483647> : vector<256xi32>
    %reduce_min3A_54 = vector.multi_reduction <minsi>, %select_n3A_52, %reduce_min3A_53 [1] : vector<256x6400xi32> to vector<256xi32>
    %broadcast_in_dim3A_55 = vector.shape_cast %reduce_min3A_54 : vector<256xi32> to vector<256x1xi32>
    %eq3A_56 = vector.broadcast %broadcast_in_dim3A_55 : vector<256x1xi32> to vector<256x6400xi32>
    %eq3A_57 = arith.cmpi eq, %iota3A, %eq3A_56 : vector<256x6400xi32>
    %jit3A_58 = arith.constant 3.000000e+38 : f32
    %broadcast_in_dim3A_59 = vector.broadcast %jit3A_58 : f32 to vector<256x6400xf32>
    %select_n3A_60 = arith.select %eq3A_57, %broadcast_in_dim3A_59, %select_n3A_44 : vector<256x6400xi1>, vector<256x6400xf32>
    %reduce_min3A_61 = arith.constant dense<0x7F800000> : vector<256xf32>
    %reduce_min3A_62 = vector.multi_reduction <minimumf>, %select_n3A_60, %reduce_min3A_61 [1] : vector<256x6400xf32> to vector<256xf32>
    %broadcast_in_dim3A_63 = vector.shape_cast %reduce_min3A_62 : vector<256xf32> to vector<256x1xf32>
    %eq3A_64 = vector.broadcast %broadcast_in_dim3A_63 : vector<256x1xf32> to vector<256x6400xf32>
    %eq3A_65 = arith.cmpf oeq, %select_n3A_60, %eq3A_64 : vector<256x6400xf32>
    %jit3A_66 = arith.constant 6400 : i32
    %broadcast_in_dim3A_67 = vector.broadcast %jit3A_66 : i32 to vector<256x6400xi32>
    %select_n3A_68 = arith.select %eq3A_65, %iota3A, %broadcast_in_dim3A_67 : vector<256x6400xi1>, vector<256x6400xi32>
    %reduce_min3A_69 = arith.constant dense<2147483647> : vector<256xi32>
    %reduce_min3A_70 = vector.multi_reduction <minsi>, %select_n3A_68, %reduce_min3A_69 [1] : vector<256x6400xi32> to vector<256xi32>
    %broadcast_in_dim3A_71 = vector.shape_cast %reduce_min3A_70 : vector<256xi32> to vector<256x1xi32>
    %eq3A_72 = vector.broadcast %broadcast_in_dim3A_71 : vector<256x1xi32> to vector<256x6400xi32>
    %eq3A_73 = arith.cmpi eq, %iota3A, %eq3A_72 : vector<256x6400xi32>
    %jit3A_74 = arith.constant 3.000000e+38 : f32
    %broadcast_in_dim3A_75 = vector.broadcast %jit3A_74 : f32 to vector<256x6400xf32>
    %select_n3A_76 = arith.select %eq3A_73, %broadcast_in_dim3A_75, %select_n3A_60 : vector<256x6400xi1>, vector<256x6400xf32>
    %reduce_min3A_77 = arith.constant dense<0x7F800000> : vector<256xf32>
    %reduce_min3A_78 = vector.multi_reduction <minimumf>, %select_n3A_76, %reduce_min3A_77 [1] : vector<256x6400xf32> to vector<256xf32>
    %broadcast_in_dim3A_79 = vector.shape_cast %reduce_min3A_78 : vector<256xf32> to vector<256x1xf32>
    %eq3A_80 = vector.broadcast %broadcast_in_dim3A_79 : vector<256x1xf32> to vector<256x6400xf32>
    %eq3A_81 = arith.cmpf oeq, %select_n3A_76, %eq3A_80 : vector<256x6400xf32>
    %jit3A_82 = arith.constant 6400 : i32
    %broadcast_in_dim3A_83 = vector.broadcast %jit3A_82 : i32 to vector<256x6400xi32>
    %select_n3A_84 = arith.select %eq3A_81, %iota3A, %broadcast_in_dim3A_83 : vector<256x6400xi1>, vector<256x6400xi32>
    %reduce_min3A_85 = arith.constant dense<2147483647> : vector<256xi32>
    %reduce_min3A_86 = vector.multi_reduction <minsi>, %select_n3A_84, %reduce_min3A_85 [1] : vector<256x6400xi32> to vector<256xi32>
    %broadcast_in_dim3A_87 = vector.shape_cast %reduce_min3A_86 : vector<256xi32> to vector<256x1xi32>
    %eq3A_88 = vector.broadcast %broadcast_in_dim3A_87 : vector<256x1xi32> to vector<256x6400xi32>
    %eq3A_89 = arith.cmpi eq, %iota3A, %eq3A_88 : vector<256x6400xi32>
    %jit3A_90 = arith.constant 3.000000e+38 : f32
    %broadcast_in_dim3A_91 = vector.broadcast %jit3A_90 : f32 to vector<256x6400xf32>
    %select_n3A_92 = arith.select %eq3A_89, %broadcast_in_dim3A_91, %select_n3A_76 : vector<256x6400xi1>, vector<256x6400xf32>
    %reduce_min3A_93 = arith.constant dense<0x7F800000> : vector<256xf32>
    %reduce_min3A_94 = vector.multi_reduction <minimumf>, %select_n3A_92, %reduce_min3A_93 [1] : vector<256x6400xf32> to vector<256xf32>
    %broadcast_in_dim3A_95 = vector.shape_cast %reduce_min3A_94 : vector<256xf32> to vector<256x1xf32>
    %eq3A_96 = vector.broadcast %broadcast_in_dim3A_95 : vector<256x1xf32> to vector<256x6400xf32>
    %eq3A_97 = arith.cmpf oeq, %select_n3A_92, %eq3A_96 : vector<256x6400xf32>
    %jit3A_98 = arith.constant 6400 : i32
    %broadcast_in_dim3A_99 = vector.broadcast %jit3A_98 : i32 to vector<256x6400xi32>
    %select_n3A_100 = arith.select %eq3A_97, %iota3A, %broadcast_in_dim3A_99 : vector<256x6400xi1>, vector<256x6400xi32>
    %reduce_min3A_101 = arith.constant dense<2147483647> : vector<256xi32>
    %reduce_min3A_102 = vector.multi_reduction <minsi>, %select_n3A_100, %reduce_min3A_101 [1] : vector<256x6400xi32> to vector<256xi32>
    %broadcast_in_dim3A_103 = vector.shape_cast %reduce_min3A_102 : vector<256xi32> to vector<256x1xi32>
    %eq3A_104 = vector.broadcast %broadcast_in_dim3A_103 : vector<256x1xi32> to vector<256x6400xi32>
    %eq3A_105 = arith.cmpi eq, %iota3A, %eq3A_104 : vector<256x6400xi32>
    %jit3A_106 = arith.constant 3.000000e+38 : f32
    %broadcast_in_dim3A_107 = vector.broadcast %jit3A_106 : f32 to vector<256x6400xf32>
    %select_n3A_108 = arith.select %eq3A_105, %broadcast_in_dim3A_107, %select_n3A_92 : vector<256x6400xi1>, vector<256x6400xf32>
    %reduce_min3A_109 = arith.constant dense<0x7F800000> : vector<256xf32>
    %reduce_min3A_110 = vector.multi_reduction <minimumf>, %select_n3A_108, %reduce_min3A_109 [1] : vector<256x6400xf32> to vector<256xf32>
    %broadcast_in_dim3A_111 = vector.shape_cast %reduce_min3A_110 : vector<256xf32> to vector<256x1xf32>
    %eq3A_112 = vector.broadcast %broadcast_in_dim3A_111 : vector<256x1xf32> to vector<256x6400xf32>
    %eq3A_113 = arith.cmpf oeq, %select_n3A_108, %eq3A_112 : vector<256x6400xf32>
    %jit3A_114 = arith.constant 6400 : i32
    %broadcast_in_dim3A_115 = vector.broadcast %jit3A_114 : i32 to vector<256x6400xi32>
    %select_n3A_116 = arith.select %eq3A_113, %iota3A, %broadcast_in_dim3A_115 : vector<256x6400xi1>, vector<256x6400xi32>
    %reduce_min3A_117 = arith.constant dense<2147483647> : vector<256xi32>
    %reduce_min3A_118 = vector.multi_reduction <minsi>, %select_n3A_116, %reduce_min3A_117 [1] : vector<256x6400xi32> to vector<256xi32>
    %broadcast_in_dim3A_119 = vector.shape_cast %reduce_min3A_118 : vector<256xi32> to vector<256x1xi32>
    %eq3A_120 = vector.broadcast %broadcast_in_dim3A_119 : vector<256x1xi32> to vector<256x6400xi32>
    %eq3A_121 = arith.cmpi eq, %iota3A, %eq3A_120 : vector<256x6400xi32>
    %jit3A_122 = arith.constant 3.000000e+38 : f32
    %broadcast_in_dim3A_123 = vector.broadcast %jit3A_122 : f32 to vector<256x6400xf32>
    %select_n3A_124 = arith.select %eq3A_121, %broadcast_in_dim3A_123, %select_n3A_108 : vector<256x6400xi1>, vector<256x6400xf32>
    %reduce_min3A_125 = arith.constant dense<0x7F800000> : vector<256xf32>
    %reduce_min3A_126 = vector.multi_reduction <minimumf>, %select_n3A_124, %reduce_min3A_125 [1] : vector<256x6400xf32> to vector<256xf32>
    %broadcast_in_dim3A_127 = vector.shape_cast %reduce_min3A_126 : vector<256xf32> to vector<256x1xf32>
    %eq3A_128 = vector.broadcast %broadcast_in_dim3A_127 : vector<256x1xf32> to vector<256x6400xf32>
    %eq3A_129 = arith.cmpf oeq, %select_n3A_124, %eq3A_128 : vector<256x6400xf32>
    %jit3A_130 = arith.constant 6400 : i32
    %broadcast_in_dim3A_131 = vector.broadcast %jit3A_130 : i32 to vector<256x6400xi32>
    %select_n3A_132 = arith.select %eq3A_129, %iota3A, %broadcast_in_dim3A_131 : vector<256x6400xi1>, vector<256x6400xi32>
    %reduce_min3A_133 = arith.constant dense<2147483647> : vector<256xi32>
    %reduce_min3A_134 = vector.multi_reduction <minsi>, %select_n3A_132, %reduce_min3A_133 [1] : vector<256x6400xi32> to vector<256xi32>
    %broadcast_in_dim3A_135 = vector.shape_cast %reduce_min3A_134 : vector<256xi32> to vector<256x1xi32>
    %eq3A_136 = vector.broadcast %broadcast_in_dim3A_135 : vector<256x1xi32> to vector<256x6400xi32>
    %eq3A_137 = arith.cmpi eq, %iota3A, %eq3A_136 : vector<256x6400xi32>
    %jit3A_138 = arith.constant 3.000000e+38 : f32
    %broadcast_in_dim3A_139 = vector.broadcast %jit3A_138 : f32 to vector<256x6400xf32>
    %select_n3A_140 = arith.select %eq3A_137, %broadcast_in_dim3A_139, %select_n3A_124 : vector<256x6400xi1>, vector<256x6400xf32>
    %reduce_min3A_141 = arith.constant dense<0x7F800000> : vector<256xf32>
    %reduce_min3A_142 = vector.multi_reduction <minimumf>, %select_n3A_140, %reduce_min3A_141 [1] : vector<256x6400xf32> to vector<256xf32>
    %broadcast_in_dim3A_143 = vector.shape_cast %reduce_min3A_142 : vector<256xf32> to vector<256x1xf32>
    %eq3A_144 = vector.broadcast %broadcast_in_dim3A_143 : vector<256x1xf32> to vector<256x6400xf32>
    %eq3A_145 = arith.cmpf oeq, %select_n3A_140, %eq3A_144 : vector<256x6400xf32>
    %jit3A_146 = arith.constant 6400 : i32
    %broadcast_in_dim3A_147 = vector.broadcast %jit3A_146 : i32 to vector<256x6400xi32>
    %select_n3A_148 = arith.select %eq3A_145, %iota3A, %broadcast_in_dim3A_147 : vector<256x6400xi1>, vector<256x6400xi32>
    %reduce_min3A_149 = arith.constant dense<2147483647> : vector<256xi32>
    %reduce_min3A_150 = vector.multi_reduction <minsi>, %select_n3A_148, %reduce_min3A_149 [1] : vector<256x6400xi32> to vector<256xi32>
    %broadcast_in_dim3A_151 = vector.shape_cast %reduce_min3A_150 : vector<256xi32> to vector<256x1xi32>
    %eq3A_152 = vector.broadcast %broadcast_in_dim3A_151 : vector<256x1xi32> to vector<256x6400xi32>
    %eq3A_153 = arith.cmpi eq, %iota3A, %eq3A_152 : vector<256x6400xi32>
    %jit3A_154 = arith.constant 3.000000e+38 : f32
    %broadcast_in_dim3A_155 = vector.broadcast %jit3A_154 : f32 to vector<256x6400xf32>
    %select_n3A_156 = arith.select %eq3A_153, %broadcast_in_dim3A_155, %select_n3A_140 : vector<256x6400xi1>, vector<256x6400xf32>
    %reduce_min3A_157 = arith.constant dense<0x7F800000> : vector<256xf32>
    %reduce_min3A_158 = vector.multi_reduction <minimumf>, %select_n3A_156, %reduce_min3A_157 [1] : vector<256x6400xf32> to vector<256xf32>
    %broadcast_in_dim3A_159 = vector.shape_cast %reduce_min3A_158 : vector<256xf32> to vector<256x1xf32>
    %eq3A_160 = vector.broadcast %broadcast_in_dim3A_159 : vector<256x1xf32> to vector<256x6400xf32>
    %eq3A_161 = arith.cmpf oeq, %select_n3A_156, %eq3A_160 : vector<256x6400xf32>
    %jit3A_162 = arith.constant 6400 : i32
    %broadcast_in_dim3A_163 = vector.broadcast %jit3A_162 : i32 to vector<256x6400xi32>
    %select_n3A_164 = arith.select %eq3A_161, %iota3A, %broadcast_in_dim3A_163 : vector<256x6400xi1>, vector<256x6400xi32>
    %reduce_min3A_165 = arith.constant dense<2147483647> : vector<256xi32>
    %reduce_min3A_166 = vector.multi_reduction <minsi>, %select_n3A_164, %reduce_min3A_165 [1] : vector<256x6400xi32> to vector<256xi32>
    %broadcast_in_dim3A_167 = vector.shape_cast %reduce_min3A_166 : vector<256xi32> to vector<256x1xi32>
    %eq3A_168 = vector.broadcast %broadcast_in_dim3A_167 : vector<256x1xi32> to vector<256x6400xi32>
    %eq3A_169 = arith.cmpi eq, %iota3A, %eq3A_168 : vector<256x6400xi32>
    %jit3A_170 = arith.constant 3.000000e+38 : f32
    %broadcast_in_dim3A_171 = vector.broadcast %jit3A_170 : f32 to vector<256x6400xf32>
    %select_n3A_172 = arith.select %eq3A_169, %broadcast_in_dim3A_171, %select_n3A_156 : vector<256x6400xi1>, vector<256x6400xf32>
    %reduce_min3A_173 = arith.constant dense<0x7F800000> : vector<256xf32>
    %reduce_min3A_174 = vector.multi_reduction <minimumf>, %select_n3A_172, %reduce_min3A_173 [1] : vector<256x6400xf32> to vector<256xf32>
    %broadcast_in_dim3A_175 = vector.shape_cast %reduce_min3A_174 : vector<256xf32> to vector<256x1xf32>
    %eq3A_176 = vector.broadcast %broadcast_in_dim3A_175 : vector<256x1xf32> to vector<256x6400xf32>
    %eq3A_177 = arith.cmpf oeq, %select_n3A_172, %eq3A_176 : vector<256x6400xf32>
    %jit3A_178 = arith.constant 6400 : i32
    %broadcast_in_dim3A_179 = vector.broadcast %jit3A_178 : i32 to vector<256x6400xi32>
    %select_n3A_180 = arith.select %eq3A_177, %iota3A, %broadcast_in_dim3A_179 : vector<256x6400xi1>, vector<256x6400xi32>
    %reduce_min3A_181 = arith.constant dense<2147483647> : vector<256xi32>
    %reduce_min3A_182 = vector.multi_reduction <minsi>, %select_n3A_180, %reduce_min3A_181 [1] : vector<256x6400xi32> to vector<256xi32>
    %broadcast_in_dim3A_183 = vector.shape_cast %reduce_min3A_182 : vector<256xi32> to vector<256x1xi32>
    %eq3A_184 = vector.broadcast %broadcast_in_dim3A_183 : vector<256x1xi32> to vector<256x6400xi32>
    %eq3A_185 = arith.cmpi eq, %iota3A, %eq3A_184 : vector<256x6400xi32>
    %jit3A_186 = arith.constant 3.000000e+38 : f32
    %broadcast_in_dim3A_187 = vector.broadcast %jit3A_186 : f32 to vector<256x6400xf32>
    %select_n3A_188 = arith.select %eq3A_185, %broadcast_in_dim3A_187, %select_n3A_172 : vector<256x6400xi1>, vector<256x6400xf32>
    %reduce_min3A_189 = arith.constant dense<0x7F800000> : vector<256xf32>
    %reduce_min3A_190 = vector.multi_reduction <minimumf>, %select_n3A_188, %reduce_min3A_189 [1] : vector<256x6400xf32> to vector<256xf32>
    %broadcast_in_dim3A_191 = vector.shape_cast %reduce_min3A_190 : vector<256xf32> to vector<256x1xf32>
    %eq3A_192 = vector.broadcast %broadcast_in_dim3A_191 : vector<256x1xf32> to vector<256x6400xf32>
    %eq3A_193 = arith.cmpf oeq, %select_n3A_188, %eq3A_192 : vector<256x6400xf32>
    %jit3A_194 = arith.constant 6400 : i32
    %broadcast_in_dim3A_195 = vector.broadcast %jit3A_194 : i32 to vector<256x6400xi32>
    %select_n3A_196 = arith.select %eq3A_193, %iota3A, %broadcast_in_dim3A_195 : vector<256x6400xi1>, vector<256x6400xi32>
    %reduce_min3A_197 = arith.constant dense<2147483647> : vector<256xi32>
    %reduce_min3A_198 = vector.multi_reduction <minsi>, %select_n3A_196, %reduce_min3A_197 [1] : vector<256x6400xi32> to vector<256xi32>
    %broadcast_in_dim3A_199 = vector.shape_cast %reduce_min3A_198 : vector<256xi32> to vector<256x1xi32>
    %eq3A_200 = vector.broadcast %broadcast_in_dim3A_199 : vector<256x1xi32> to vector<256x6400xi32>
    %eq3A_201 = arith.cmpi eq, %iota3A, %eq3A_200 : vector<256x6400xi32>
    %jit3A_202 = arith.constant 3.000000e+38 : f32
    %broadcast_in_dim3A_203 = vector.broadcast %jit3A_202 : f32 to vector<256x6400xf32>
    %select_n3A_204 = arith.select %eq3A_201, %broadcast_in_dim3A_203, %select_n3A_188 : vector<256x6400xi1>, vector<256x6400xf32>
    %reduce_min3A_205 = arith.constant dense<0x7F800000> : vector<256xf32>
    %reduce_min3A_206 = vector.multi_reduction <minimumf>, %select_n3A_204, %reduce_min3A_205 [1] : vector<256x6400xf32> to vector<256xf32>
    %broadcast_in_dim3A_207 = vector.shape_cast %reduce_min3A_206 : vector<256xf32> to vector<256x1xf32>
    %eq3A_208 = vector.broadcast %broadcast_in_dim3A_207 : vector<256x1xf32> to vector<256x6400xf32>
    %eq3A_209 = arith.cmpf oeq, %select_n3A_204, %eq3A_208 : vector<256x6400xf32>
    %jit3A_210 = arith.constant 6400 : i32
    %broadcast_in_dim3A_211 = vector.broadcast %jit3A_210 : i32 to vector<256x6400xi32>
    %select_n3A_212 = arith.select %eq3A_209, %iota3A, %broadcast_in_dim3A_211 : vector<256x6400xi1>, vector<256x6400xi32>
    %reduce_min3A_213 = arith.constant dense<2147483647> : vector<256xi32>
    %reduce_min3A_214 = vector.multi_reduction <minsi>, %select_n3A_212, %reduce_min3A_213 [1] : vector<256x6400xi32> to vector<256xi32>
    %broadcast_in_dim3A_215 = vector.shape_cast %reduce_min3A_214 : vector<256xi32> to vector<256x1xi32>
    %eq3A_216 = vector.broadcast %broadcast_in_dim3A_215 : vector<256x1xi32> to vector<256x6400xi32>
    %eq3A_217 = arith.cmpi eq, %iota3A, %eq3A_216 : vector<256x6400xi32>
    %jit3A_218 = arith.constant 3.000000e+38 : f32
    %broadcast_in_dim3A_219 = vector.broadcast %jit3A_218 : f32 to vector<256x6400xf32>
    %select_n3A_220 = arith.select %eq3A_217, %broadcast_in_dim3A_219, %select_n3A_204 : vector<256x6400xi1>, vector<256x6400xf32>
    %reduce_min3A_221 = arith.constant dense<0x7F800000> : vector<256xf32>
    %reduce_min3A_222 = vector.multi_reduction <minimumf>, %select_n3A_220, %reduce_min3A_221 [1] : vector<256x6400xf32> to vector<256xf32>
    %broadcast_in_dim3A_223 = vector.shape_cast %reduce_min3A_222 : vector<256xf32> to vector<256x1xf32>
    %eq3A_224 = vector.broadcast %broadcast_in_dim3A_223 : vector<256x1xf32> to vector<256x6400xf32>
    %eq3A_225 = arith.cmpf oeq, %select_n3A_220, %eq3A_224 : vector<256x6400xf32>
    %jit3A_226 = arith.constant 6400 : i32
    %broadcast_in_dim3A_227 = vector.broadcast %jit3A_226 : i32 to vector<256x6400xi32>
    %select_n3A_228 = arith.select %eq3A_225, %iota3A, %broadcast_in_dim3A_227 : vector<256x6400xi1>, vector<256x6400xi32>
    %reduce_min3A_229 = arith.constant dense<2147483647> : vector<256xi32>
    %reduce_min3A_230 = vector.multi_reduction <minsi>, %select_n3A_228, %reduce_min3A_229 [1] : vector<256x6400xi32> to vector<256xi32>
    %broadcast_in_dim3A_231 = vector.shape_cast %reduce_min3A_230 : vector<256xi32> to vector<256x1xi32>
    %eq3A_232 = vector.broadcast %broadcast_in_dim3A_231 : vector<256x1xi32> to vector<256x6400xi32>
    %eq3A_233 = arith.cmpi eq, %iota3A, %eq3A_232 : vector<256x6400xi32>
    %jit3A_234 = arith.constant 3.000000e+38 : f32
    %broadcast_in_dim3A_235 = vector.broadcast %jit3A_234 : f32 to vector<256x6400xf32>
    %select_n3A_236 = arith.select %eq3A_233, %broadcast_in_dim3A_235, %select_n3A_220 : vector<256x6400xi1>, vector<256x6400xf32>
    %reduce_min3A_237 = arith.constant dense<0x7F800000> : vector<256xf32>
    %reduce_min3A_238 = vector.multi_reduction <minimumf>, %select_n3A_236, %reduce_min3A_237 [1] : vector<256x6400xf32> to vector<256xf32>
    %broadcast_in_dim3A_239 = vector.shape_cast %reduce_min3A_238 : vector<256xf32> to vector<256x1xf32>
    %eq3A_240 = vector.broadcast %broadcast_in_dim3A_239 : vector<256x1xf32> to vector<256x6400xf32>
    %eq3A_241 = arith.cmpf oeq, %select_n3A_236, %eq3A_240 : vector<256x6400xf32>
    %jit3A_242 = arith.constant 6400 : i32
    %broadcast_in_dim3A_243 = vector.broadcast %jit3A_242 : i32 to vector<256x6400xi32>
    %select_n3A_244 = arith.select %eq3A_241, %iota3A, %broadcast_in_dim3A_243 : vector<256x6400xi1>, vector<256x6400xi32>
    %reduce_min3A_245 = arith.constant dense<2147483647> : vector<256xi32>
    %reduce_min3A_246 = vector.multi_reduction <minsi>, %select_n3A_244, %reduce_min3A_245 [1] : vector<256x6400xi32> to vector<256xi32>
    %broadcast_in_dim3A_247 = vector.shape_cast %reduce_min3A_246 : vector<256xi32> to vector<256x1xi32>
    %concatenate3A = tpu.concatenate %broadcast_in_dim3A_7, %broadcast_in_dim3A_23, %broadcast_in_dim3A_39, %broadcast_in_dim3A_55, %broadcast_in_dim3A_71, %broadcast_in_dim3A_87, %broadcast_in_dim3A_103, %broadcast_in_dim3A_119, %broadcast_in_dim3A_135, %broadcast_in_dim3A_151, %broadcast_in_dim3A_167, %broadcast_in_dim3A_183, %broadcast_in_dim3A_199, %broadcast_in_dim3A_215, %broadcast_in_dim3A_231, %broadcast_in_dim3A_247 in 1 : vector<256x1xi32>, vector<256x1xi32>, vector<256x1xi32>, vector<256x1xi32>, vector<256x1xi32>, vector<256x1xi32>, vector<256x1xi32>, vector<256x1xi32>, vector<256x1xi32>, vector<256x1xi32>, vector<256x1xi32>, vector<256x1xi32>, vector<256x1xi32>, vector<256x1xi32>, vector<256x1xi32>, vector<256x1xi32> -> vector<256x16xi32>
    %swap3A = arith.constant 0 : index
    %swap3A_248 = arith.constant 0 : index
    %swap3A_249 = vector.load %arg2[%swap3A, %swap3A_248] : memref<256x16xi32, #tpu.memory_space<vmem>>, vector<256x16xi32>
    tpu.vector_store %arg2[%swap3A, %swap3A_248], %concatenate3A {strides = array<i32>} : memref<256x16xi32, #tpu.memory_space<vmem>>, vector<256x16xi32>,
    return
  }
  func.func @transform_0(%arg0: i32) -> (i32, i32) {
    %c0_i32 = arith.constant 0 : i32
    %c0_i32_0 = arith.constant 0 : i32
    return %arg0, %c0_i32 : i32, i32
  }
  func.func @transform_1(%arg0: i32) -> (i32, i32) {
    %c0_i32 = arith.constant 0 : i32
    %c0_i32_0 = arith.constant 0 : i32
    return %arg0, %c0_i32 : i32, i32
  }
}

module attributes {stable_mosaic.version = 14 : i64} {
  func.func @_phase1_body(%arg0: i32, %arg1: i32, %arg2: memref<256x128xf32, #tpu.memory_space<vmem>>, %arg3: memref<4096x128xf32, #tpu.memory_space<vmem>>, %arg4: memref<1x1x256x4096xf32, #tpu.memory_space<vmem>>, %arg5: memref<256x256xf32, #tpu.memory_space<vmem>>) attributes {dimension_semantics = [#tpu.dimension_semantics<arbitrary>, #tpu.dimension_semantics<arbitrary>], iteration_bounds = array<i64: 25, 16>, scalar_prefetch = 0 : i64, scratch_operands = 0 : i64, tpu.core_type = #tpu.core_type<tc>, window_params = [{transform_indices = @transform_0, window_bounds = array<i64: 256, 128>}, {transform_indices = @transform_1, window_bounds = array<i64: 4096, 128>}, {transform_indices = @transform_2, window_bounds = array<i64: 1, 1, 256, 4096>}, {transform_indices = @transform_3, window_bounds = array<i64: 256, 256>}]} {
    %get3A = arith.constant 0 : index
    %get3A_0 = arith.constant 0 : index
    %get3A_1 = vector.load %arg2[%get3A, %get3A_0] : memref<256x128xf32, #tpu.memory_space<vmem>>, vector<256x128xf32>
    %get3A_2 = arith.constant 0 : index
    %get3A_3 = arith.constant 0 : index
    %get3A_4 = vector.load %arg3[%get3A_2, %get3A_3] : memref<4096x128xf32, #tpu.memory_space<vmem>>, vector<4096x128xf32>
    %mul3A = arith.mulf %get3A_1, %get3A_1 : vector<256x128xf32>
    %reduce_sum3A = arith.constant dense<0.000000e+00> : vector<256xf32>
    %reduce_sum3A_5 = vector.multi_reduction <add>, %mul3A, %reduce_sum3A [1] : vector<256x128xf32> to vector<256xf32>
    %broadcast_in_dim3A = vector.shape_cast %reduce_sum3A_5 : vector<256xf32> to vector<256x1xf32>
    %mul3A_6 = arith.mulf %get3A_4, %get3A_4 : vector<4096x128xf32>
    %reduce_sum3A_7 = arith.constant dense<0.000000e+00> : vector<4096xf32>
    %reduce_sum3A_8 = vector.multi_reduction <add>, %mul3A_6, %reduce_sum3A_7 [1] : vector<4096x128xf32> to vector<4096xf32>
    %broadcast_in_dim3A_9 = vector.shape_cast %reduce_sum3A_8 : vector<4096xf32> to vector<1x4096xf32>
    %dot_general3A = arith.constant dense<0.000000e+00> : vector<256x4096xf32>
    %dot_general3A_10 = tpu.matmul %get3A_1, %get3A_4, %dot_general3A {dimension_numbers = #tpu.dot_dimension_numbers<[1], [1], [0], [0], [0, 0, 1, 0], [], []>, transpose_lhs_hint = false} : vector<256x128xf32>, vector<4096x128xf32>, vector<256x4096xf32> -> vector<256x4096xf32>
    %add3A = vector.broadcast %broadcast_in_dim3A : vector<256x1xf32> to vector<256x4096xf32>
    %add3A_11 = vector.broadcast %broadcast_in_dim3A_9 : vector<1x4096xf32> to vector<256x4096xf32>
    %add3A_12 = arith.addf %add3A, %add3A_11 : vector<256x4096xf32>
    %mul3A_13 = arith.constant 2.000000e+00 : f32
    %mul3A_14 = vector.broadcast %mul3A_13 : f32 to vector<256x4096xf32>
    %mul3A_15 = arith.mulf %mul3A_14, %dot_general3A_10 : vector<256x4096xf32>
    %sub3A = arith.subf %add3A_12, %mul3A_15 : vector<256x4096xf32>
    %max3A = arith.constant 0.000000e+00 : f32
    %max3A_16 = vector.broadcast %max3A : f32 to vector<256x4096xf32>
    %max3A_17 = arith.maximumf %sub3A, %max3A_16 : vector<256x4096xf32>
    %sqrt3A = math.sqrt %max3A_17 : vector<256x4096xf32>
    %swap3A = arith.constant 0 : index
    %swap3A_18 = arith.constant 0 : index
    %swap3A_19 = arith.constant 0 : index
    %swap3A_20 = arith.constant 0 : index
    %swap3A_21 = vector.load %arg4[%swap3A, %swap3A_18, %swap3A_19, %swap3A_20] : memref<1x1x256x4096xf32, #tpu.memory_space<vmem>>, vector<1x1x256x4096xf32>
    %swap3A_22 = vector.shape_cast %swap3A_21 : vector<1x1x256x4096xf32> to vector<256x4096xf32>
    %swap3A_23 = vector.shape_cast %sqrt3A : vector<256x4096xf32> to vector<1x1x256x4096xf32>
    tpu.vector_store %arg4[%swap3A, %swap3A_18, %swap3A_19, %swap3A_20], %swap3A_23 {strides = array<i32>} : memref<1x1x256x4096xf32, #tpu.memory_space<vmem>>, vector<1x1x256x4096xf32>,
    %slice3A = vector.extract_strided_slice %sqrt3A {offsets = [0, 0], sizes = [256, 256], strides = [1, 1]} : vector<256x4096xf32> to vector<256x256xf32>
    %slice3A_24 = vector.extract_strided_slice %sqrt3A {offsets = [0, 256], sizes = [256, 256], strides = [1, 1]} : vector<256x4096xf32> to vector<256x256xf32>
    %min3A = arith.minimumf %slice3A, %slice3A_24 : vector<256x256xf32>
    %slice3A_25 = vector.extract_strided_slice %sqrt3A {offsets = [0, 512], sizes = [256, 256], strides = [1, 1]} : vector<256x4096xf32> to vector<256x256xf32>
    %min3A_26 = arith.minimumf %min3A, %slice3A_25 : vector<256x256xf32>
    %slice3A_27 = vector.extract_strided_slice %sqrt3A {offsets = [0, 768], sizes = [256, 256], strides = [1, 1]} : vector<256x4096xf32> to vector<256x256xf32>
    %min3A_28 = arith.minimumf %min3A_26, %slice3A_27 : vector<256x256xf32>
    %slice3A_29 = vector.extract_strided_slice %sqrt3A {offsets = [0, 1024], sizes = [256, 256], strides = [1, 1]} : vector<256x4096xf32> to vector<256x256xf32>
    %min3A_30 = arith.minimumf %min3A_28, %slice3A_29 : vector<256x256xf32>
    %slice3A_31 = vector.extract_strided_slice %sqrt3A {offsets = [0, 1280], sizes = [256, 256], strides = [1, 1]} : vector<256x4096xf32> to vector<256x256xf32>
    %min3A_32 = arith.minimumf %min3A_30, %slice3A_31 : vector<256x256xf32>
    %slice3A_33 = vector.extract_strided_slice %sqrt3A {offsets = [0, 1536], sizes = [256, 256], strides = [1, 1]} : vector<256x4096xf32> to vector<256x256xf32>
    %min3A_34 = arith.minimumf %min3A_32, %slice3A_33 : vector<256x256xf32>
    %slice3A_35 = vector.extract_strided_slice %sqrt3A {offsets = [0, 1792], sizes = [256, 256], strides = [1, 1]} : vector<256x4096xf32> to vector<256x256xf32>
    %min3A_36 = arith.minimumf %min3A_34, %slice3A_35 : vector<256x256xf32>
    %slice3A_37 = vector.extract_strided_slice %sqrt3A {offsets = [0, 2048], sizes = [256, 256], strides = [1, 1]} : vector<256x4096xf32> to vector<256x256xf32>
    %min3A_38 = arith.minimumf %min3A_36, %slice3A_37 : vector<256x256xf32>
    %slice3A_39 = vector.extract_strided_slice %sqrt3A {offsets = [0, 2304], sizes = [256, 256], strides = [1, 1]} : vector<256x4096xf32> to vector<256x256xf32>
    %min3A_40 = arith.minimumf %min3A_38, %slice3A_39 : vector<256x256xf32>
    %slice3A_41 = vector.extract_strided_slice %sqrt3A {offsets = [0, 2560], sizes = [256, 256], strides = [1, 1]} : vector<256x4096xf32> to vector<256x256xf32>
    %min3A_42 = arith.minimumf %min3A_40, %slice3A_41 : vector<256x256xf32>
    %slice3A_43 = vector.extract_strided_slice %sqrt3A {offsets = [0, 2816], sizes = [256, 256], strides = [1, 1]} : vector<256x4096xf32> to vector<256x256xf32>
    %min3A_44 = arith.minimumf %min3A_42, %slice3A_43 : vector<256x256xf32>
    %slice3A_45 = vector.extract_strided_slice %sqrt3A {offsets = [0, 3072], sizes = [256, 256], strides = [1, 1]} : vector<256x4096xf32> to vector<256x256xf32>
    %min3A_46 = arith.minimumf %min3A_44, %slice3A_45 : vector<256x256xf32>
    %slice3A_47 = vector.extract_strided_slice %sqrt3A {offsets = [0, 3328], sizes = [256, 256], strides = [1, 1]} : vector<256x4096xf32> to vector<256x256xf32>
    %min3A_48 = arith.minimumf %min3A_46, %slice3A_47 : vector<256x256xf32>
    %slice3A_49 = vector.extract_strided_slice %sqrt3A {offsets = [0, 3584], sizes = [256, 256], strides = [1, 1]} : vector<256x4096xf32> to vector<256x256xf32>
    %min3A_50 = arith.minimumf %min3A_48, %slice3A_49 : vector<256x256xf32>
    %slice3A_51 = vector.extract_strided_slice %sqrt3A {offsets = [0, 3840], sizes = [256, 256], strides = [1, 1]} : vector<256x4096xf32> to vector<256x256xf32>
    %min3A_52 = arith.minimumf %min3A_50, %slice3A_51 : vector<256x256xf32>
    %swap3A_53 = arith.constant 0 : index
    %swap3A_54 = arith.constant 0 : index
    %swap3A_55 = vector.load %arg5[%swap3A_53, %swap3A_54] : memref<256x256xf32, #tpu.memory_space<vmem>>, vector<256x256xf32>
    tpu.vector_store %arg5[%swap3A_53, %swap3A_54], %min3A_52 {strides = array<i32>} : memref<256x256xf32, #tpu.memory_space<vmem>>, vector<256x256xf32>,
    return
  }
  func.func @transform_0(%arg0: i32, %arg1: i32) -> (i32, i32) {
    %c0_i32 = arith.constant 0 : i32
    %c0_i32_0 = arith.constant 0 : i32
    return %arg1, %c0_i32 : i32, i32
  }
  func.func @transform_1(%arg0: i32, %arg1: i32) -> (i32, i32) {
    %c0_i32 = arith.constant 0 : i32
    %c0_i32_0 = arith.constant 0 : i32
    return %arg0, %c0_i32 : i32, i32
  }
  func.func @transform_2(%arg0: i32, %arg1: i32) -> (i32, i32, i32, i32) {
    %c0_i32 = arith.constant 0 : i32
    %c0_i32_0 = arith.constant 0 : i32
    %c0_i32_1 = arith.constant 0 : i32
    return %arg0, %arg1, %c0_i32, %c0_i32_0 : i32, i32, i32, i32
  }
  func.func @transform_3(%arg0: i32, %arg1: i32) -> (i32, i32) {
    %c0_i32 = arith.constant 0 : i32
    return %arg1, %arg0 : i32, i32
  }
}

</mosaic_0001>

<sc_bundles>
// kernel: kernel.5.cloned.1.call-start
scs
__scs_entry_jumppad:
0x0: {  	(pc) =	sbr.rel $0x88, $3  }
0x1: {  	(tag) =	ssettag $0x0;
	lr =	simm.s32 $0x1  }
0x2: {  	[smem:$0x3F9F] =	sst lr;
	_ =	strace $0xD0000000  }
0x3: {  	_ = 	snop  }
0x4: {  	_ = 	snop  }
0x5: {  	_ = 	snop  }
0x6: {  	_ = 	snop  }
0x7: {  	_ = 	snop  }
__scs_overlays_trampoline_lowered:
0x8: {  	[smem:$0x3FAE] =	sst s0  }
0x9: {  	[smem:$0x3FAF] =	sst s1  }
0xa: {  	[smem:$0x3FB0] =	sst s2  }
0xb: {  	[smem:$0x3FB1] =	sst s3  }
0xc: {  	[smem:$0x3FB2] =	sst s4  }
0xd: {  	[smem:$0x3FB3] =	sst s5  }
0xe: {  	[smem:$0x3FB4] =	sst s6  }
0xf: {  	[smem:$0x3FB5] =	sst s7  }
0x10: {  	[smem:$0x3FB6] =	sst s8  }
0x11: {  	[smem:$0x3FB7] =	sst s9;
	s0 =	simm.s32 @!p0 $0x0  }
0x12: {  	s1 =	sld [smem:$0x3F9D];
	s0 =	simm.s32 @p0 $0x1  }
0x13: {  	[smem:$0x3FB8] =	sst s0;
	s0 =	simm.s32 @!p1 $0x0  }
0x14: {  	s2 =	sld [smem:$0x3F9C];
	s0 =	simm.s32 @p1 $0x1  }
0x15: {  	[smem:$0x3FB9] =	sst s0;
	s0 =	simm.s32 @!p2 $0x0  }
0x16: {  	s3 =	sld [smem:$0x3FDB];
	s0 =	simm.s32 @p2 $0x1  }
0x17: {  	s4 =	simm.s32 $0x1BF5;
	[smem:$0x3FBB] =	sst s0  }
0x18: {  	s0 =	sld [smem:$0x3F9E];
	_ =	swait.ge [sflag:s4], $0x0  }
0x19: {  	s7 =	sld [smem:$0x3F9F]  }
0x1a: {  	s8 =	sadd.s32 $0xFFFFE003, lr  }
0x1b: {  	s9 =	sadd.s32 $0xFFFFFEF7, lr;
	s5 =	simm.s32 $0xFFFFFFFF;
	p2 =	slt.u32 s8, $0xFFFFF086  }
0x1c: {  	p1 =	slt.u32 s9, $0xF7A;
	s5 =	simm.s32 @!p2 $0x0  }
0x1d: {  	s5 =	simm.s32 @p1 $0x1;
	p0 =	seq.s32 s7, s2  }
0x1e: {  	s7 =	smul.u32 @!p0 $0xF7A, s2;
	p2 =	seq.s32 @!p0 s5, $0x0  }
0x1f: {  	s9 =	smul.u32 $0xF7A, s1;
	s8 =	simm.s32 @!p0 $0x1BF5;
	p2 =	por !p2, p0  }
0x20: {  	[sflag:s8] =	ssyncset.s32 @!p0 $0xFFFFF086;
	s6 =	sadd.s32 @!p0 s3, s7;
	s7 =	simm.s32 @!p0 $0x108  }
0x21: {  	s3 =	sadd.s32 s3, s9;
	s6 =	sadd.s32 @!p0 $0x88, s6;
	s7 =	simm.s32 @p2 $0x1082  }
0x22: {  	[simem:s7], [sflag:s8] =	dma.local @!p0 [hbm:s6], $0xF7A  }
0x23: {  	s9 =	sor.u32 $0xD0000000, s2;
	s6 =	simm.s32 $0x108;
	_ =	swait.ge @!p0 [sflag:s8], $0x0  }
0x24: {  	s3 =	sadd.s32 $0x88, s3;
	s6 =	simm.s32 @!p1 $0x1082;
	[sflag:s4] =	ssyncset.s32 $0xFFFFF086  }
0x25: {  	[simem:s6], [sflag:s4] =	dma.local [hbm:s3], $0xF7A  }
0x26: {  	[smem:$0x3F9F] =	sst s1;
	(tag) =	ssettag s2;
	_ =	strace s9  }
0x27: {  	s1 =	sld [smem:$0x3FAF]  }
0x28: {  	s2 =	sld [smem:$0x3FB0]  }
0x29: {  	s4 =	sld [smem:$0x3FB2]  }
0x2a: {  	p0 =	seq.s32 s5, $0x0;
	s5 =	sld [smem:$0x3FB3]  }
0x2b: {  	s6 =	sld [smem:$0x3FB4]  }
0x2c: {  	s7 =	sld [smem:$0x3FB5]  }
0x2d: {  	s3 =	simm.s32 $0x108;
	s8 =	sld [smem:$0x3FB6]  }
0x2e: {  	s3 =	simm.s32 @!p0 $0x1082;
	s9 =	sld [smem:$0x3FB7]  }
0x2f: {  	lr =	sadd.s32 s0, s3;
	s0 =	sld [smem:$0x3FAE]  }
0x30: {  	s3 =	sld [smem:$0x3FB1]  }
0x31: {  	[smem:$0x3FBA] =	sst s10  }
0x32: {  	s10 =	sld [smem:$0x3FB8];
	_ =	sdelay $0x3  }
0x33: {  	p0 =	seq.s32 s10, $0x1;
	s10 =	sld [smem:$0x3FBA];
	_ =	sdelay $0x3  }
0x34: {  	[smem:$0x3FBA] =	sst s10  }
0x35: {  	s10 =	sld [smem:$0x3FB9];
	_ =	sdelay $0x3  }
0x36: {  	p1 =	seq.s32 s10, $0x1;
	s10 =	sld [smem:$0x3FBA];
	_ =	sdelay $0x3  }
0x37: {  	[smem:$0x3FBA] =	sst s10  }
0x38: {  	s10 =	sld [smem:$0x3FBB]  }
0x39: {  	_ = 	snop;
	(pc) =	sbr.ind lr, $3  }
0x3a: {  	_ = 	snop  }
0x3b: {  	_ = 	snop  }
0x3c: {  	p2 =	seq.s32 s10, $0x1;
	s10 =	sld [smem:$0x3FBA]  }
0x3d: {  	_ =	shalt  }
0x3e: {  	_ =	shalt  }
0x3f: {  	_ =	shalt  }
0x40: {  	_ =	shalt  }
0x41: {  	_ =	shalt  }
0x42: {  	_ =	shalt  }
0x43: {  	_ =	shalt  }
0x44: {  	_ =	shalt  }
0x45: {  	_ =	shalt  }
0x46: {  	_ =	shalt  }
0x47: {  	_ =	shalt  }
0x48: {  	_ =	shalt  }
0x49: {  	_ =	shalt  }
0x4a: {  	_ =	shalt  }
0x4b: {  	_ =	shalt  }
0x4c: {  	_ =	shalt  }
0x4d: {  	_ =	shalt  }
0x4e: {  	_ =	shalt  }
0x4f: {  	_ =	shalt  }
0x50: {  	_ =	shalt  }
0x51: {  	_ =	shalt  }
0x52: {  	_ =	shalt  }
0x53: {  	_ =	shalt  }
0x54: {  	_ =	shalt  }
0x55: {  	_ =	shalt  }
0x56: {  	_ =	shalt  }
0x57: {  	_ =	shalt  }
0x58: {  	_ =	shalt  }
0x59: {  	_ =	shalt  }
0x5a: {  	_ =	shalt  }
0x5b: {  	_ =	shalt  }
0x5c: {  	_ =	shalt  }
0x5d: {  	_ =	shalt  }
0x5e: {  	_ =	shalt  }
0x5f: {  	_ =	shalt  }
0x60: {  	_ =	shalt  }
0x61: {  	_ =	shalt  }
0x62: {  	_ =	shalt  }
0x63: {  	_ =	shalt  }
0x64: {  	_ =	shalt  }
0x65: {  	_ =	shalt  }
0x66: {  	_ =	shalt  }
0x67: {  	_ =	shalt  }
0x68: {  	_ =	shalt  }
0x69: {  	_ =	shalt  }
0x6a: {  	_ =	shalt  }
0x6b: {  	_ =	shalt  }
0x6c: {  	_ =	shalt  }
0x6d: {  	_ =	shalt  }
0x6e: {  	_ =	shalt  }
0x6f: {  	_ =	shalt  }
0x70: {  	_ =	shalt  }
0x71: {  	_ =	shalt  }
0x72: {  	_ =	shalt  }
0x73: {  	_ =	shalt  }
0x74: {  	_ =	shalt  }
0x75: {  	_ =	shalt  }
0x76: {  	_ =	shalt  }
0x77: {  	_ =	shalt  }
0x78: {  	_ =	shalt  }
0x79: {  	_ =	shalt  }
0x7a: {  	_ =	shalt  }
0x7b: {  	_ =	shalt  }
0x7c: {  	_ =	shalt  }
0x7d: {  	_ =	shalt  }
0x7e: {  	_ =	shalt  }
0x7f: {  	_ =	shalt  }
0x80: {  	_ =	shalt  }
0x81: {  	_ =	shalt  }
0x82: {  	_ =	shalt  }
0x83: {  	_ =	shalt  }
0x84: {  	_ =	shalt  }
0x85: {  	_ =	shalt  }
0x86: {  	_ =	shalt  }
0x87: {  	_ =	shalt  }
.Lfunc_end0:
.L_simem_size_0:
called_computation.1_lowered:
.L_overlay_start_0:
0x88: {  	s2 =	sld [smem:$0x3FD9]  }
0x89: {  	s3 =	sld [smem:$0x3FFE];
	_ =	sdelay $0x1  }
0x8a: {  	s1 =	srdreg.scid  }
0x8b: {  	s0 =	sand.u32 $0x1, s1  }
0x8c: {  	s16 =	sshll.u32 s0, $0xA;
	s2 =	sadd.s32 s3, s2  }
0x8d: {  	s2 =	sadd.s32 s2, s16  }
0x8e: {  	[smem:$0x3FC6] =	sst s2  }
0x8f: {  	_ = 	snop  }
0x90: {  	(tm) =	ssettm $0x1  }
0x91: {  	s17 =	sld [smem:$0x3FFB];
	_ =	sdelay $0x3  }
0x92: {  	_ =	strace s17  }
0x93: {  	s2 =	sld [smem:$0x3FFC];
	_ =	sdelay $0x3  }
0x94: {  	_ =	strace s2  }
0x95: {  	s2 =	sld [smem:$0x3FFD];
	_ =	sdelay $0x3  }
0x96: {  	_ =	strace s2  }
0x97: {  	_ =	strace $0x8FFFFFFF  }
0x98: {  	s18 =	sld [smem:$0x3FDB];
	_ =	sdelay $0x1  }
0x99: {  	s19 =	simm.s32 $_scs_section_size  }
0x9a: {  	s4 =	simm.s32 $_size__tile_overlayer_lowered;
	s5 =	simm.s32 $_tile_overlayer_lowered  }
0x9b: {  	s22 =	simm.s32 $0x1BFF;
	s21 =	sshll.u32 s5, $0x1;
	s2 =	sadd.s32 s19, s18  }
0x9c: {  	s6 =	simm.s32 $0x0;
	s20 =	sshll.u32 s4, $0x1;
	s4 =	sadd.s32 s21, s2  }
0x9d: {  	[timem:s6], [sflag:s22] =	dma.local [hbm:s4], s20  }
0x9e: {  	_ =	swait.ge [sflag:s22], s20  }
0x9f: {  	s3 =	ssub.s32 $0x0, s20;
	[sflag:s22] =	ssyncset.done $0x0  }
0xa0: {  	[sflag:s22] =	ssyncadd.s32 s3;
	_ =	sdelay $0x1  }
0xa1: {  	s23 =	simm.s32 $0x1B8B  }
0xa2: {  	_ =	swait.ge [sflag:s23], $0x1  }
0xa3: {  	[sflag:s23] =	ssyncset.done $0x0  }
0xa4: {  	s25 =	simm.s32 $0x1B8E;
	s24 =	sld [smem:$0x3FFE];
	[sflag:s23] =	ssyncadd.s32 $0xFFFFFFFF  }
0xa5: {  	s26 =	simm.s32 $execute0_lowered;
	[smem:$0x3FD2] =	sst s25  }
0xa6: {  	s4 =	sshll.u32 s26, $0x1;
	_ =	strace $0x80000049;
	[dreg:$0x1] =	wrdreg $0xFFFFFFFF  }
0xa7: {  	s28 =	simm.s32 $_size_execute0_lowered;
	s2 =	sadd.s32 s2, s4;
	[dreg:$0x0] =	wrdreg $0x0  }
0xa8: {  	s4 =	sshll.u32 s28, $0x1;
	[dreg:$0x2] =	wrdreg s2  }
0xa9: {  	[dreg:$0x3] =	wrdreg s4  }
0xaa: {  	[dreg:$0x4] =	wrdreg $0xC0  }
0xab: {  	_ =	task [dreg:s6], $0x5FFFF  }
0xac: {  	[dreg:$0x1] =	wrdreg $0xFFFFFFFF  }
0xad: {  	[dreg:$0x0] =	wrdreg $0x60  }
0xae: {  	[dreg:$0x2] =	wrdreg s24  }
0xaf: {  	[dreg:$0x3] =	wrdreg $0x9  }
0xb0: {  	_ =	task.clear_ibuf [dreg:s6], $0x4FFFF;
	_ =	strace $0x90000049  }
0xb1: {  	s29 =	simm.s32 $0x9;
	_ =	strace $0x8000004B  }
0xb2: {  	_ =	swait.ge [sflag:s29], $0x1  }
0xb3: {  	[sflag:s29] =	ssyncadd.s32 $0xFFFFFFFF  }
0xb4: {  	_ =	strace $0x9000004B  }
0xb5: {  	_ =	sfence  }
0xb6: {  	s30 =	sld [smem:$0x0];
	_ =	sdelay $0x2  }
0xb7: {  	s31 =	sshll.u32 s1, $0xD;
	s1 =	sshrl.u32 s1, $0x2  }
0xb8: {  	s3 =	sand.u32 $0x4000, s31;
	s1 =	sadd.s32 s1, s30  }
0xb9: {  	s0 =	sor.u32 s3, s0;
	s1 =	sshll.u32 s1, $0x11  }
0xba: {  	s0 =	sor.u32 s1, s0  }
0xbb: {  	s0 =	sadd.s32 $0x8F2B, s0  }
0xbc: {  	[sflag:s0] =	ssyncadd.remote.s32 $0x1  }
0xbd: {  	_ =	sfence.sel $0xFFFF  }
0xbe: {  	[dreg:$0x0] =	wrdreg $0xFFFFFFFF;
	(pc) =	sbr.abs _section_cstart, $3  }
0xbf: {  	[dreg:$0x1] =	wrdreg $0xFFFFFFFF  }
0xc0: {  	_ =	task.clear_ibuf [dreg:s6], $0x2FFFF;
	_ =	strace $0x9FFFFFFF  }
0xc1: {  	(tm) =	ssettm $0x7FFFFFFF  }
tec
execute0_lowered:
.L_overlay_start_1:
0x0: {  	(tag) =	ssettag $0x1  }
0x1: {  	s5 =	rddreg [dreg:$0x0]  }
0x2: {  	s2 =	srdreg.scid;
	s0 =	rddreg [dreg:$0x1];
	s1 =	simm.s32 $0x0  }
0x3: {  	s12 =	simm.s32 $0x80;
	s13 =	simm.s32 $0x280;
	s14 =	simm.s32 $0x1  }
0x4: {  	s15 =	simm.s32 $0x380;
	s16 =	simm.s32 $0x0;
	s8 =	sand.u32 $0x1, s2  }
0x5: {  	[smem:$0x7FF] =	sst s1;
	s3 =	sadd.s32 $0x36B0E00, s5;
	s4 =	sadd.s32 $0xE00, s5  }
0x6: {  	s2 =	stileid.u32;
	s5 =	sadd.s32 $0x10E00, s5;
	s6 =	ssub.s32 $0x2, s8  }
0x7: {  	v0 =	vlaneseq.u32;
	_ =	strace $0x8000004A;
	s9 =	sshll.u32 s8, $0x13;
	s7 =	sshrl.u32 s6, $0x1  }
0x8: {  	v0 =	vmul.u32 $0xFFFFFFFF, v0;
	s10 =	sshll.u32 s2, $0xC;
	s7 =	ssub.s32 s6, s7;
	s6 =	sshll.u32 s2, $0x14  }
0x9: {  	s11 =	sshll.u32 s8, $0xB;
	s7 =	smax.u32 s7, $0x1;
	s8 =	sor.u32 s9, s6  }
0xa: {  	v0 =	vadd.s32 $0xF, v0;
	s9 =	sor.u32 s11, s10;
	s10 =	simm.s32 $0x2;
	s11 =	simm.s32 $0x100  }
.LBB2_1:
0xb: {  	s17 =	smov.u32 s8;
	s18 =	simm.s32 $0x0  }
.LBB2_2:
0xc: {  	s19 =	sadd.s32 s18, s9  }
0xd: {  	s20 =	sand.u32 $0x70, s18;
	s19 =	sand.u32 $0xFF80, s19  }
0xe: {  	s19 =	sor.u32 s20, s19  }
0xf: {  	s20 =	sadd.s32 s4, s19  }
0x10: {  	[tilespmem:s1], [sflag:$0x2] =	stream.linear.gather [hbm4b:s20+s1], $0x80, $0x38;
	[tilespmem:$0x400] =	vst v63  }
0x11: {  	_ =	swait.ge [sflag:s10], $0x80  }
0x12: {  	[sflag:s10] =	ssyncset.done $0x0  }
0x13: {  	[sflag:s10] =	ssyncadd.s32 $0xFFFFFF80  }
0x14: {  	v1 =	vld [tilespmem:$0x0];
	_ =	sdelay $0x4  }
0x15: {  	s31 =	sand.u32 $0xFF000, s17;
	v2 =	vshra.s32 v1, $0x8  }
0x16: {  	s20 =	sor.u32 s6, s31;
	v1 =	vand.u32 $0xFF, v1;
	v3 =	vshll.u32 v2, $0xC;
	v2 =	vshll.u32 v2, $0x18  }
0x17: {  	v3 =	vor.u32 v1, v3;
	v2 =	vor.u32 s20, v2  }
0x18: {  	v1 =	vor.u32 v1, v2;
	[tilespmem:$0x180] =	vst v3  }
0x19: {  	v2 =	vor.u32 $0x100, v3;
	[tilespmem:$0x80] =	vst v1  }
0x1a: {  	[tilespmem:$0x190] =	vst v2;
	v2 =	vor.u32 $0x100, v1  }
0x1b: {  	[tilespmem:$0x90] =	vst v2;
	v2 =	vor.u32 $0x200, v3  }
0x1c: {  	[tilespmem:$0x1A0] =	vst v2;
	v2 =	vor.u32 $0x200, v1  }
0x1d: {  	[tilespmem:$0xA0] =	vst v2;
	v2 =	vor.u32 $0x300, v3  }
0x1e: {  	[tilespmem:$0x1B0] =	vst v2;
	v2 =	vor.u32 $0x300, v1  }
0x1f: {  	[tilespmem:$0xB0] =	vst v2;
	v2 =	vor.u32 $0x400, v3  }
0x20: {  	[tilespmem:$0x1C0] =	vst v2;
	v2 =	vor.u32 $0x400, v1  }
0x21: {  	[tilespmem:$0xC0] =	vst v2;
	v2 =	vor.u32 $0x500, v3  }
0x22: {  	[tilespmem:$0x1D0] =	vst v2;
	v2 =	vor.u32 $0x500, v1  }
0x23: {  	[tilespmem:$0xD0] =	vst v2;
	v2 =	vor.u32 $0x600, v3  }
0x24: {  	[tilespmem:$0x1E0] =	vst v2;
	v2 =	vor.u32 $0x600, v1  }
0x25: {  	[tilespmem:$0xE0] =	vst v2;
	v2 =	vor.u32 $0x700, v3  }
0x26: {  	[tilespmem:$0x1F0] =	vst v2;
	v2 =	vor.u32 $0x700, v1  }
0x27: {  	[tilespmem:$0xF0] =	vst v2;
	v2 =	vor.u32 $0x800, v3  }
0x28: {  	[tilespmem:$0x200] =	vst v2;
	v2 =	vor.u32 $0x800, v1  }
0x29: {  	[tilespmem:$0x100] =	vst v2;
	v2 =	vor.u32 $0x900, v3  }
0x2a: {  	[tilespmem:$0x210] =	vst v2;
	v2 =	vor.u32 $0x900, v1  }
0x2b: {  	[tilespmem:$0x110] =	vst v2;
	v2 =	vor.u32 $0xA00, v3  }
0x2c: {  	[tilespmem:$0x220] =	vst v2;
	v2 =	vor.u32 $0xA00, v1  }
0x2d: {  	[tilespmem:$0x120] =	vst v2;
	v2 =	vor.u32 $0xB00, v3  }
0x2e: {  	[tilespmem:$0x230] =	vst v2;
	v2 =	vor.u32 $0xB00, v1  }
0x2f: {  	[tilespmem:$0x130] =	vst v2;
	v2 =	vor.u32 $0xC00, v3  }
0x30: {  	[tilespmem:$0x240] =	vst v2;
	v2 =	vor.u32 $0xC00, v1  }
0x31: {  	[tilespmem:$0x140] =	vst v2;
	v2 =	vor.u32 $0xD00, v3  }
0x32: {  	[tilespmem:$0x250] =	vst v2;
	v2 =	vor.u32 $0xD00, v1  }
0x33: {  	[tilespmem:$0x150] =	vst v2;
	v2 =	vor.u32 $0xE00, v3  }
0x34: {  	[tilespmem:$0x260] =	vst v2;
	v2 =	vor.u32 $0xE00, v1  }
0x35: {  	v1 =	vor.u32 $0xF00, v1;
	[tilespmem:$0x160] =	vst v2  }
0x36: {  	v2 =	vor.u32 $0xF00, v3;
	[tilespmem:$0x170] =	vst v1  }
0x37: {  	[tilespmem:$0x270] =	vst v2  }
0x38: {  	[tilespmem:s13], [sflag:$0x1] =	stream.indirect.gather [hbm4b:s3+s11], $0x1, s12, s11, $0xb8;
	[tilespmem:$0x400] =	vst v63  }
0x39: {  	_ =	swait.ge [sflag:s14], $0x100  }
0x3a: {  	[sflag:s14] =	ssyncset.done $0x0  }
0x3b: {  	[sflag:s14] =	ssyncadd.s32 $0xFFFFFF00  }
0x3c: {  	v1 =	vld [tilespmem:$0x280]  }
0x3d: {  	v2 =	vld [tilespmem:$0x180]  }
0x3e: {  	v3 =	vld [tilespmem:$0x290]  }
0x3f: {  	v4 =	vld [tilespmem:$0x190];
	_ =	sdelay $0x3  }
0x40: {  	(xrf1) =	vsort.ascd.msk.f32 $0xffff, v1, v2  }
0x41: {  	(xrf1) =	vsort.ascd.msk.f32 $0xffff, v3, v4;
	_ =	sdelay $0xc  }
0x42: {  	v1, v2, _ =	vpop (xrf1)  }
0x43: {  	v5 =	vld [tilespmem:$0x2A0];
	v3, v4, _ =	vpop (xrf1)  }
0x44: {  	v6 =	vld [tilespmem:$0x1A0];
	v3 =	vperm.xlane v3, v0  }
0x45: {  	v4 =	vperm.xlane v4, v0  }
0x46: {  	vm0 =	vle.f32 v1, v3  }
0x47: {  	v1 =	vsel vm0, v1, v3;
	v2 =	vsel vm0, v2, v4  }
0x48: {  	(xrf1) =	vsort.ascd.msk.f32 $0xffff, v1, v2  }
0x49: {  	(xrf1) =	vsort.ascd.msk.f32 $0xffff, v5, v6;
	_ =	sdelay $0xc  }
0x4a: {  	v1, v2, _ =	vpop (xrf1)  }
0x4b: {  	v25 =	vld [tilespmem:$0x2B0];
	v3, v24, _ =	vpop (xrf1)  }
0x4c: {  	v26 =	vld [tilespmem:$0x1B0];
	v3 =	vperm.xlane v3, v0  }
0x4d: {  	v4 =	vperm.xlane v24, v0  }
0x4e: {  	vm14 =	vle.f32 v1, v3  }
0x4f: {  	v1 =	vsel vm14, v1, v3;
	v2 =	vsel vm14, v2, v4  }
0x50: {  	(xrf1) =	vsort.ascd.msk.f32 $0xffff, v1, v2  }
0x51: {  	(xrf1) =	vsort.ascd.msk.f32 $0xffff, v25, v26;
	_ =	sdelay $0xc  }
0x52: {  	v1, v2, _ =	vpop (xrf1)  }
0x53: {  	v28 =	vld [tilespmem:$0x2C0];
	v3, v27, _ =	vpop (xrf1)  }
0x54: {  	v29 =	vld [tilespmem:$0x1C0];
	v3 =	vperm.xlane v3, v0  }
0x55: {  	v4 =	vperm.xlane v27, v0  }
0x56: {  	vm15 =	vle.f32 v1, v3  }
0x57: {  	v1 =	vsel vm15, v1, v3;
	v2 =	vsel vm15, v2, v4  }
0x58: {  	(xrf1) =	vsort.ascd.msk.f32 $0xffff, v1, v2  }
0x59: {  	(xrf1) =	vsort.ascd.msk.f32 $0xffff, v28, v29;
	_ =	sdelay $0xc  }
0x5a: {  	v1, v2, _ =	vpop (xrf1)  }
0x5b: {  	v31 =	vld [tilespmem:$0x2D0];
	v3, v30, _ =	vpop (xrf1)  }
0x5c: {  	v32 =	vld [tilespmem:$0x1D0];
	v3 =	vperm.xlane v3, v0  }
0x5d: {  	v4 =	vperm.xlane v30, v0  }
0x5e: {  	vm4 =	vle.f32 v1, v3  }
0x5f: {  	v1 =	vsel vm4, v1, v3;
	v2 =	vsel vm4, v2, v4  }
0x60: {  	(xrf1) =	vsort.ascd.msk.f32 $0xffff, v1, v2  }
0x61: {  	(xrf1) =	vsort.ascd.msk.f32 $0xffff, v31, v32;
	_ =	sdelay $0xc  }
0x62: {  	v1, v2, _ =	vpop (xrf1)  }
0x63: {  	v34 =	vld [tilespmem:$0x2E0];
	v3, v33, _ =	vpop (xrf1)  }
0x64: {  	v35 =	vld [tilespmem:$0x1E0];
	v3 =	vperm.xlane v3, v0  }
0x65: {  	v4 =	vperm.xlane v33, v0  }
0x66: {  	vm5 =	vle.f32 v1, v3  }
0x67: {  	v1 =	vsel vm5, v1, v3;
	v2 =	vsel vm5, v2, v4  }
0x68: {  	(xrf1) =	vsort.ascd.msk.f32 $0xffff, v1, v2  }
0x69: {  	(xrf1) =	vsort.ascd.msk.f32 $0xffff, v34, v35;
	_ =	sdelay $0xc  }
0x6a: {  	v1, v2, _ =	vpop (xrf1)  }
0x6b: {  	v37 =	vld [tilespmem:$0x2F0];
	v3, v36, _ =	vpop (xrf1)  }
0x6c: {  	v38 =	vld [tilespmem:$0x1F0];
	v3 =	vperm.xlane v3, v0  }
0x6d: {  	v4 =	vperm.xlane v36, v0  }
0x6e: {  	vm6 =	vle.f32 v1, v3  }
0x6f: {  	v1 =	vsel vm6, v1, v3;
	v2 =	vsel vm6, v2, v4  }
0x70: {  	(xrf1) =	vsort.ascd.msk.f32 $0xffff, v1, v2  }
0x71: {  	(xrf1) =	vsort.ascd.msk.f32 $0xffff, v37, v38;
	_ =	sdelay $0xc  }
0x72: {  	v1, v2, _ =	vpop (xrf1)  }
0x73: {  	v40 =	vld [tilespmem:$0x300];
	v3, v39, _ =	vpop (xrf1)  }
0x74: {  	v41 =	vld [tilespmem:$0x200];
	v3 =	vperm.xlane v3, v0  }
0x75: {  	v4 =	vperm.xlane v39, v0  }
0x76: {  	vm7 =	vle.f32 v1, v3  }
0x77: {  	v1 =	vsel vm7, v1, v3;
	v2 =	vsel vm7, v2, v4  }
0x78: {  	(xrf1) =	vsort.ascd.msk.f32 $0xffff, v1, v2  }
0x79: {  	(xrf1) =	vsort.ascd.msk.f32 $0xffff, v40, v41;
	_ =	sdelay $0xc  }
0x7a: {  	v1, v2, _ =	vpop (xrf1)  }
0x7b: {  	v43 =	vld [tilespmem:$0x310];
	v3, v42, _ =	vpop (xrf1)  }
0x7c: {  	v44 =	vld [tilespmem:$0x210];
	v3 =	vperm.xlane v3, v0  }
0x7d: {  	v4 =	vperm.xlane v42, v0  }
0x7e: {  	vm8 =	vle.f32 v1, v3  }
0x7f: {  	v1 =	vsel vm8, v1, v3;
	v2 =	vsel vm8, v2, v4  }
0x80: {  	(xrf1) =	vsort.ascd.msk.f32 $0xffff, v1, v2  }
0x81: {  	(xrf1) =	vsort.ascd.msk.f32 $0xffff, v43, v44;
	_ =	sdelay $0xc  }
0x82: {  	v1, v2, _ =	vpop (xrf1)  }
0x83: {  	v46 =	vld [tilespmem:$0x320];
	v3, v45, _ =	vpop (xrf1)  }
0x84: {  	v47 =	vld [tilespmem:$0x220];
	v3 =	vperm.xlane v3, v0  }
0x85: {  	v4 =	vperm.xlane v45, v0  }
0x86: {  	vm9 =	vle.f32 v1, v3  }
0x87: {  	v1 =	vsel vm9, v1, v3;
	v2 =	vsel vm9, v2, v4  }
0x88: {  	(xrf1) =	vsort.ascd.msk.f32 $0xffff, v1, v2  }
0x89: {  	(xrf1) =	vsort.ascd.msk.f32 $0xffff, v46, v47;
	_ =	sdelay $0xc  }
0x8a: {  	v1, v2, _ =	vpop (xrf1)  }
0x8b: {  	v49 =	vld [tilespmem:$0x330];
	v3, v48, _ =	vpop (xrf1)  }
0x8c: {  	v50 =	vld [tilespmem:$0x230];
	v3 =	vperm.xlane v3, v0  }
0x8d: {  	v4 =	vperm.xlane v48, v0  }
0x8e: {  	vm10 =	vle.f32 v1, v3  }
0x8f: {  	v1 =	vsel vm10, v1, v3;
	v2 =	vsel vm10, v2, v4  }
0x90: {  	(xrf1) =	vsort.ascd.msk.f32 $0xffff, v1, v2  }
0x91: {  	(xrf1) =	vsort.ascd.msk.f32 $0xffff, v49, v50;
	_ =	sdelay $0xc  }
0x92: {  	v1, v2, _ =	vpop (xrf1)  }
0x93: {  	v52 =	vld [tilespmem:$0x340];
	v3, v51, _ =	vpop (xrf1)  }
0x94: {  	v53 =	vld [tilespmem:$0x240];
	v3 =	vperm.xlane v3, v0  }
0x95: {  	v4 =	vperm.xlane v51, v0  }
0x96: {  	vm11 =	vle.f32 v1, v3  }
0x97: {  	v1 =	vsel vm11, v1, v3;
	v2 =	vsel vm11, v2, v4  }
0x98: {  	(xrf1) =	vsort.ascd.msk.f32 $0xffff, v1, v2  }
0x99: {  	(xrf1) =	vsort.ascd.msk.f32 $0xffff, v52, v53;
	_ =	sdelay $0xc  }
0x9a: {  	v1, v2, _ =	vpop (xrf1)  }
0x9b: {  	v55 =	vld [tilespmem:$0x350];
	v3, v54, _ =	vpop (xrf1)  }
0x9c: {  	v56 =	vld [tilespmem:$0x250];
	v3 =	vperm.xlane v3, v0  }
0x9d: {  	v4 =	vperm.xlane v54, v0  }
0x9e: {  	vm12 =	vle.f32 v1, v3  }
0x9f: {  	v1 =	vsel vm12, v1, v3;
	v2 =	vsel vm12, v2, v4  }
0xa0: {  	(xrf1) =	vsort.ascd.msk.f32 $0xffff, v1, v2  }
0xa1: {  	(xrf1) =	vsort.ascd.msk.f32 $0xffff, v55, v56;
	_ =	sdelay $0xc  }
0xa2: {  	v1, v2, _ =	vpop (xrf1)  }
0xa3: {  	v58 =	vld [tilespmem:$0x360];
	v3, v57, _ =	vpop (xrf1)  }
0xa4: {  	v59 =	vld [tilespmem:$0x260];
	v3 =	vperm.xlane v3, v0  }
0xa5: {  	v4 =	vperm.xlane v57, v0  }
0xa6: {  	vm13 =	vle.f32 v1, v3  }
0xa7: {  	v1 =	vsel vm13, v1, v3;
	v2 =	vsel vm13, v2, v4  }
0xa8: {  	(xrf1) =	vsort.ascd.msk.f32 $0xffff, v1, v2  }
0xa9: {  	(xrf1) =	vsort.ascd.msk.f32 $0xffff, v58, v59;
	_ =	sdelay $0xc  }
0xaa: {  	v1, v2, _ =	vpop (xrf1)  }
0xab: {  	v61 =	vld [tilespmem:$0x370];
	v3, v60, _ =	vpop (xrf1)  }
0xac: {  	v62 =	vld [tilespmem:$0x270];
	v3 =	vperm.xlane v3, v0  }
0xad: {  	v4 =	vperm.xlane v60, v0  }
0xae: {  	vm14 =	vle.f32 v1, v3  }
0xaf: {  	v1 =	vsel vm14, v1, v3;
	v2 =	vsel vm14, v2, v4  }
0xb0: {  	(xrf1) =	vsort.ascd.msk.f32 $0xffff, v1, v2  }
0xb1: {  	(xrf1) =	vsort.ascd.msk.f32 $0xffff, v61, v62;
	_ =	sdelay $0xc  }
0xb2: {  	v1, v2, _ =	vpop (xrf1)  }
0xb3: {  	v3, v63, _ =	vpop (xrf1)  }
0xb4: {  	v3 =	vperm.xlane v3, v0  }
0xb5: {  	v4 =	vperm.xlane v63, v0  }
0xb6: {  	vm15 =	vle.f32 v1, v3  }
0xb7: {  	v1 =	vsel vm15, v1, v3;
	v2 =	vsel vm15, v2, v4  }
0xb8: {  	(xrf1) =	vsort.ascd.msk.f32 $0xffff, v1, v2;
	_ =	sdelay $0xd  }
0xb9: {  	p0 =	sne.s32 s18, $0x7F0;
	_, v1, _ =	vpop (xrf1)  }
.Ltmp0:
0xba: {  	s19 =	sadd.s32 s5, s19;
	[tilespmem:$0x380] =	vst v1;
	(pc) =	sbr.rel @p0 .LBB2_2-.Ltmp0, $4  }
0xbb: {  	[hbm4b:s19+s1] =	stream.linear.scatter [tilespmem:s15], [sflag:$0x2], $0x80, $0x38;
	[tilespmem:$0x400] =	vst v63  }
0xbc: {  	_ =	swait.ge [sflag:s10], $0x80  }
0xbd: {  	[sflag:s10] =	ssyncset.done $0x0  }
0xbe: {  	s17 =	sadd.s32 $0x1000, s17;
	s18 =	sadd.s32 $0x10, s18;
	[sflag:s10] =	ssyncadd.s32 $0xFFFFFF80  }
0xbf: {  	s16 =	sadd.s32 $0x1, s16  }
0xc0: {  	p0 =	sne.s32 s16, s7  }
.Ltmp1:
0xc1: {  	_ = 	snop;
	(pc) =	sbr.rel @p0 .LBB2_1-.Ltmp1, $1  }
0xc2: {  	_ =	sdelay $0x3  }
0xc3: {  	_ =	sfence.sel $0x180000  }
0xc4: {  	[bflag:$0x0] =	sbarrier.arrive $0xFFFF  }
0xc5: {  	p0 =	sne.s32 s2, $0x0;
	_ =	strace $0x9000004A  }
0xc6: {  	s0 =	sadd.s32 @!p0 $0x100000, s0;
	[bflag:$0x2] =	sbarrier.arrive $0xFFFF  }
0xc7: {  	[sflag:s0] =	ssyncadd.tile.s32 @!p0 $0x1;
	_ =	shalt  }
.Lfunc_end2:
_tile_overlayer_lowered:
.L_overlay_start_2:
0xc8: {  	(tag) =	ssettag $0x2  }
0xc9: {  	s0 =	rddreg [dreg:$0x0];
	s2 =	stileid.u32  }
0xca: {  	s1 =	rddreg [dreg:$0x1];
	p0 =	sne.s32 s2, $0x0  }
0xcb: {  	s3 =	rddreg [dreg:$0x2];
	[bflag:$0x3] =	sbarrier.arrive $0xFFFF;
	s2 =	simm.s32 @!p0 $0x1C02  }
0xcc: {  	[timem:s3], [sflag:s2] =	dma.local @!p0 [hbm:s0], s1  }
0xcd: {  	s0 =	simm.s32 @!p0 $0x2  }
0xce: {  	_ =	swait.ge @!p0 [sflag:s0], s1  }
0xcf: {  	s1 =	ssub.s32 @!p0 $0x0, s1;
	[sflag:s0] =	ssyncset.done @!p0 $0x0  }
0xd0: {  	[sflag:s0] =	ssyncadd.s32 @!p0 s1  }
0xd1: {  	[bflag:$0x3] =	sbarrier.arrive $0xFFFF  }
0xd2: {  	_ =	shalt  }

// kernel: sparse-core-data-format-call.cloned.1.call-start
scs
called_computation_lowered:
.L_overlay_start_0:
0x0: {  	s1 =	sld [smem:$0x3FD9]  }
0x1: {  	s2 =	sld [smem:$0x3FFE];
	_ =	sdelay $0x1  }
0x2: {  	s3 =	srdreg.scid  }
0x3: {  	s0 =	sand.u32 $0x1, s3  }
0x4: {  	s17 =	sshll.u32 s0, $0xA;
	s1 =	sadd.s32 s2, s1  }
0x5: {  	s1 =	sadd.s32 s1, s17  }
0x6: {  	[smem:$0x3FC6] =	sst s1  }
0x7: {  	_ = 	snop  }
0x8: {  	(tm) =	ssettm $0x1  }
0x9: {  	s18 =	sld [smem:$0x3FFB];
	_ =	sdelay $0x3  }
0xa: {  	_ =	strace s18  }
0xb: {  	s1 =	sld [smem:$0x3FFC];
	_ =	sdelay $0x3  }
0xc: {  	_ =	strace s1  }
0xd: {  	s1 =	sld [smem:$0x3FFD];
	_ =	sdelay $0x3  }
0xe: {  	_ =	strace s1  }
0xf: {  	_ =	strace $0x8FFFFFFF  }
0x10: {  	s19 =	sld [smem:$0x3FDB];
	_ =	sdelay $0x1  }
0x11: {  	s20 =	simm.s32 $_scs_section_size  }
0x12: {  	s4 =	simm.s32 $_size__tile_overlayer_lowered;
	s5 =	simm.s32 $_tile_overlayer_lowered  }
0x13: {  	s23 =	simm.s32 $0x1BFF;
	s22 =	sshll.u32 s5, $0x1;
	s1 =	sadd.s32 s20, s19  }
0x14: {  	s6 =	simm.s32 $0x0;
	s21 =	sshll.u32 s4, $0x1;
	s4 =	sadd.s32 s22, s1  }
0x15: {  	[timem:s6], [sflag:s23] =	dma.local [hbm:s4], s21  }
0x16: {  	_ =	swait.ge [sflag:s23], s21  }
0x17: {  	s2 =	ssub.s32 $0x0, s21;
	[sflag:s23] =	ssyncset.done $0x0  }
0x18: {  	[sflag:s23] =	ssyncadd.s32 s2;
	_ =	sdelay $0x1  }
0x19: {  	s24 =	simm.s32 $0x1B8B  }
0x1a: {  	_ =	swait.ge [sflag:s24], $0x1  }
0x1b: {  	[sflag:s24] =	ssyncset.done $0x0  }
0x1c: {  	s26 =	simm.s32 $0x1B8E;
	s25 =	sld [smem:$0x3FFE];
	[sflag:s24] =	ssyncadd.s32 $0xFFFFFFFF  }
0x1d: {  	s27 =	simm.s32 $execute0_lowered;
	[smem:$0x3FD2] =	sst s26  }
0x1e: {  	s4 =	sshll.u32 s27, $0x1;
	_ =	strace $0x80000046;
	[dreg:$0x1] =	wrdreg $0xFFFFFFFF  }
0x1f: {  	s28 =	simm.s32 $_size_execute0_lowered;
	s1 =	sadd.s32 s1, s4;
	[dreg:$0x0] =	wrdreg $0x0  }
0x20: {  	s4 =	sshll.u32 s28, $0x1;
	[dreg:$0x2] =	wrdreg s1  }
0x21: {  	[dreg:$0x3] =	wrdreg s4  }
0x22: {  	[dreg:$0x4] =	wrdreg $0xC0  }
0x23: {  	_ =	task [dreg:s6], $0x5FFFF  }
0x24: {  	[dreg:$0x1] =	wrdreg $0xFFFFFFFF  }
0x25: {  	[dreg:$0x0] =	wrdreg $0x60  }
0x26: {  	[dreg:$0x2] =	wrdreg s25  }
0x27: {  	[dreg:$0x3] =	wrdreg $0x9  }
0x28: {  	_ =	task.clear_ibuf [dreg:s6], $0x4FFFF;
	_ =	strace $0x90000046  }
0x29: {  	s29 =	simm.s32 $0x9;
	_ =	strace $0x80000048  }
0x2a: {  	_ =	swait.ge [sflag:s29], $0x1  }
0x2b: {  	[sflag:s29] =	ssyncadd.s32 $0xFFFFFFFF  }
0x2c: {  	_ =	strace $0x90000048  }
0x2d: {  	_ =	sfence  }
0x2e: {  	s30 =	sld [smem:$0x0];
	_ =	sdelay $0x2  }
0x2f: {  	s31 =	sshll.u32 s3, $0xD;
	s3 =	sshrl.u32 s3, $0x2  }
0x30: {  	s2 =	sand.u32 $0x4000, s31;
	s1 =	sadd.s32 s3, s30  }
0x31: {  	s0 =	sor.u32 s2, s0;
	s1 =	sshll.u32 s1, $0x11  }
0x32: {  	s0 =	sor.u32 s1, s0  }
0x33: {  	s0 =	sadd.s32 $0x8F2B, s0  }
0x34: {  	[sflag:s0] =	ssyncadd.remote.s32 $0x1  }
0x35: {  	_ =	sfence.sel $0xFFFF  }
0x36: {  	[dreg:$0x0] =	wrdreg $0xFFFFFFFF;
	(pc) =	sbr.abs _section_cstart, $3  }
0x37: {  	[dreg:$0x1] =	wrdreg $0xFFFFFFFF  }
0x38: {  	_ =	task.clear_ibuf [dreg:s6], $0x2FFFF;
	_ =	strace $0x9FFFFFFF  }
0x39: {  	(tm) =	ssettm $0x7FFFFFFF  }
tec
execute0_lowered:
.L_overlay_start_1:
0x0: {  	(tag) =	ssettag $0x1  }
0x1: {  	s1 =	rddreg [dreg:$0x0]  }
0x2: {  	s0 =	rddreg [dreg:$0x1]  }
0x3: {  	_ =	strace $0x80000047;
	s4 =	srdreg.scid;
	s6 =	simm.s32 $0x2  }
0x4: {  	s11 =	simm.s32 $0x0;
	p0 =	por $0x0, $0x0;
	s7 =	simm.s32 $0x1000  }
.Ltmp0:
0x5: {  	s12 =	simm.s32 $0x0;
	s9 =	simm.s32 $0x0;
	(pc) =	sbr.rel .LBB1_1-.Ltmp0, $4  }
0x6: {  	s2 =	sadd.s32 $0x4B0E00, s1;
	s3 =	sadd.s32 $0x36B0E00, s1;
	s5 =	sshll.u32 s4, $0x4  }
0x7: {  	s1 =	stileid.u32;
	s4 =	simm.s32 $0x1;
	s5 =	sand.u32 $0x10, s5  }
0x8: {  	s8 =	simm.s32 $0x0;
	[sflag:s4] =	ssyncpa.u1 $0x0;
	s5 =	sor.u32 s1, s5  }
0x9: {  	[sflag:s6] =	ssyncpa.u1 $0x0;
	s6 =	simm.s32 $0x800;
	s10 =	smov.u32 s5  }
.LBB1_7:
0xa: {  	s13 =	sadd.s32 $0x10, s9  }
0xb: {  	s11 =	sadd.s32 $0x20, s10;
	s15 =	smov.u32 s10;
	p2 =	sgt.s32 s13, $0x1F  }
0xc: {  	p1 =	slt.u32 s8, $0x2;
	s15 =	smov.u32 @p2 s11  }
0xd: {  	s8 =	sadd.s32 $0x1, s8;
	s13 =	simm.s32 @p2 $0x0;
	p2 =	sgt.s32 s15, $0x31FF  }
0xe: {  	s15 =	smov.u32 @p2 s5;
	p2 =	sne.s32 s8, $0x322  }
.Ltmp1:
0xf: {  	_ = 	snop;
	(pc) =	sbr.rel @!p2 .LBB1_8-.Ltmp1, $4  }
0x10: {  	s14 =	simm.s32 @!p1 $0x2  }
0x11: {  	s12 =	smov.u32 s10;
	_ =	swait.ge @!p1 [sflag:s14], $0x4000  }
0x12: {  	p0 =	por !p0, !p0;
	s11 =	smov.u32 s9;
	[sflag:s14] =	ssyncset.done @!p1 $0x0  }
0x13: {  	s9 =	smov.u32 s13;
	[sflag:s14] =	ssyncadd.s32 @!p1 $0xFFFFC000;
	s10 =	smov.u32 s15  }
.LBB1_1:
0x14: {  	p1 =	sgt.u32 s8, $0x31F  }
0x15: {  	s13 =	sxor.u32 @!p1 $0xFFFFFFFF, s8;
	s14 =	sshll.u32 @!p1 s10, $0xC  }
0x16: {  	s15 =	sshll.u32 @!p1 s9, $0x7;
	s13 =	sshll.u32 @!p1 s13, $0xE;
	s14 =	sadd.s32 @!p1 s2, s14  }
0x17: {  	s13 =	sand.u32 @!p1 $0x4000, s13;
	s14 =	sadd.s32 @!p1 s15, s14;
	s15 =	simm.s32 @!p1 $0x0  }
0x18: {  	[tilespmem:s13], [sflag:$0x1] =	stream.linear.gather @!p1 [hbm4b:s14+s15], $0x4000, $0x38;
	[tilespmem:$0x10000] =	vst v63  }
0x19: {  	p1 =	seq.s32 s8, $0x0  }
0x1a: {  	p2 =	seq.s32 @!p1 s8, $0x321  }
0x1b: {  	p1 =	por p1, p2  }
.Ltmp2:
0x1c: {  	_ = 	snop;
	(pc) =	sbr.rel @p1 .LBB1_7-.Ltmp2, $1  }
0x1d: {  	_ =	sdelay $0x3  }
0x1e: {  	s13 =	simm.s32 $0x1;
	_ =	swait.ge [sflag:s4], $0x4000;
	s16 =	sshll.u32 s8, $0xE  }
0x1f: {  	s13 =	simm.s32 @!p0 $0x0;
	[sflag:s4] =	ssyncset.done $0x0;
	s31 =	sand.u32 $0x4000, s16  }
0x20: {  	s16 =	simm.s32 $0x0;
	s14 =	sshll.u32 s13, $0xE;
	[sflag:s4] =	ssyncadd.s32 $0xFFFFC000  }
0x21: {  	s13 =	sor.u32 $0x8040, s14;
	s15 =	sor.u32 $0x40, s14;
	s14 =	sor.u32 $0x8000, s31  }
.LBB1_3:
0x22: {  	v0 =	vmov s15;
	_ =	sdelay $0x3  }
0x23: {  	s18 =	simm.s32 $0x0  }
0x24: {  	v6 =	vld.idx.msk [tilespmem:v0+s18+$0x30 ss:$0x1], $0xffff  }
0x25: {  	v7 =	vld.idx.msk [tilespmem:v0+s18+$0xFFFFFFC0 ss:$0x1], $0xffff  }
0x26: {  	v5 =	vld.idx.msk [tilespmem:v0+s18+$0xFFFFFFD0 ss:$0x1], $0xffff  }
0x27: {  	v4 =	vld.idx.msk [tilespmem:v0+s18+$0xFFFFFFE0 ss:$0x1], $0xffff  }
0x28: {  	v3 =	vld.idx.msk [tilespmem:v0+s18+$0xFFFFFFF0 ss:$0x1], $0xffff  }
0x29: {  	v1 =	vld.idx.msk [tilespmem:v0+s18+$0x0 ss:$0x1], $0xffff  }
0x2a: {  	v2 =	vld.idx.msk [tilespmem:v0+s18+$0x10 ss:$0x1], $0xffff;
	[tilespmem:s13+$0x30] =	vst v6  }
0x2b: {  	s17 =	simm.s32 $0x80;
	s19 =	simm.s32 $0x400;
	[tilespmem:s13+$0xFFFFFFC0] =	vst v7;
	v6 =	vld.idx.msk [tilespmem:v0+s18+$0x20 ss:$0x1], $0xffff;
	s18 =	smov.u32 s13  }
.LBB1_4:
0x2c: {  	p1 =	sne.s32 s19, $0xE00;
	v7 =	vld.idx.msk [tilespmem:v0+s17+$0x30 ss:$0x1], $0xffff;
	[tilespmem:s18+$0xFFFFFFD0] =	vst v5  }
0x2d: {  	v8 =	vld.idx.msk [tilespmem:v0+s17+$0xFFFFFFC0 ss:$0x1], $0xffff;
	[tilespmem:s18+$0xFFFFFFE0] =	vst v4  }
0x2e: {  	v5 =	vld.idx.msk [tilespmem:v0+s17+$0xFFFFFFD0 ss:$0x1], $0xffff;
	[tilespmem:s18+$0xFFFFFFF0] =	vst v3  }
.Ltmp3:
0x2f: {  	v4 =	vld.idx.msk [tilespmem:v0+s17+$0xFFFFFFE0 ss:$0x1], $0xffff;
	[tilespmem:s18+$0x0] =	vst v1;
	(pc) =	sbr.rel @p1 .LBB1_4-.Ltmp3, $4  }
0x30: {  	v3 =	vld.idx.msk [tilespmem:v0+s17+$0xFFFFFFF0 ss:$0x1], $0xffff;
	[tilespmem:s18+$0x10] =	vst v2  }
0x31: {  	v1 =	vld.idx.msk [tilespmem:v0+s17+$0x0 ss:$0x1], $0xffff;
	[tilespmem:s18+$0x20] =	vst v6;
	s18 =	sadd.s32 $0x800, s18  }
0x32: {  	v2 =	vld.idx.msk [tilespmem:v0+s17+$0x10 ss:$0x1], $0xffff;
	[tilespmem:s18+$0x30] =	vst v7  }
0x33: {  	[tilespmem:s18+$0xFFFFFFC0] =	vst v8;
	v6 =	vld.idx.msk [tilespmem:v0+s17+$0x20 ss:$0x1], $0xffff;
	s17 =	sshra.s32 s19, $0x2;
	s19 =	sadd.s32 $0x200, s19  }
0x34: {  	_ =	sdelay $0x2  }
0x35: {  	[tilespmem:s18+$0xFFFFFFD0] =	vst v5  }
0x36: {  	v56 =	vld.idx.msk [tilespmem:v0+s17+$0x30 ss:$0x1], $0xffff;
	[tilespmem:s18+$0xFFFFFFE0] =	vst v4  }
0x37: {  	v57 =	vld.idx.msk [tilespmem:v0+s17+$0xFFFFFFC0 ss:$0x1], $0xffff;
	[tilespmem:s18+$0xFFFFFFF0] =	vst v3  }
0x38: {  	v58 =	vld.idx.msk [tilespmem:v0+s17+$0xFFFFFFD0 ss:$0x1], $0xffff;
	[tilespmem:s18+$0x0] =	vst v1  }
0x39: {  	v59 =	vld.idx.msk [tilespmem:v0+s17+$0xFFFFFFE0 ss:$0x1], $0xffff;
	[tilespmem:s18+$0x10] =	vst v2  }
0x3a: {  	v60 =	vld.idx.msk [tilespmem:v0+s17+$0xFFFFFFF0 ss:$0x1], $0xffff;
	s31 =	sadd.s32 $0x800, s18;
	[tilespmem:s18+$0x20] =	vst v6  }
0x3b: {  	v61 =	vld.idx.msk [tilespmem:v0+s17+$0x0 ss:$0x1], $0xffff;
	[tilespmem:s31+$0x30] =	vst v56  }
0x3c: {  	v62 =	vld.idx.msk [tilespmem:v0+s17+$0x10 ss:$0x1], $0xffff;
	s16 =	sadd.s32 $0x1, s16;
	[tilespmem:s31+$0xFFFFFFC0] =	vst v57  }
0x3d: {  	v63 =	vld.idx.msk [tilespmem:v0+s17+$0x20 ss:$0x1], $0xffff;
	p1 =	sne.s32 s16, $0x10;
	[tilespmem:s31+$0xFFFFFFD0] =	vst v58  }
.Ltmp4:
0x3e: {  	[tilespmem:s31+$0xFFFFFFE0] =	vst v59;
	(pc) =	sbr.rel @p1 .LBB1_3-.Ltmp4, $4  }
0x3f: {  	[tilespmem:s31+$0xFFFFFFF0] =	vst v60  }
0x40: {  	[tilespmem:s31+$0x0] =	vst v61  }
0x41: {  	[tilespmem:s31+$0x10] =	vst v62  }
0x42: {  	s13 =	sadd.s32 $0x80, s13;
	s15 =	sadd.s32 $0x400, s15;
	[tilespmem:s31+$0x20] =	vst v63  }
.Ltmp5:
0x43: {  	(pc) =	sbr.rel .LBB1_7-.Ltmp5, $4  }
0x44: {  	s12 =	sshll.u32 s12, $0xC;
	s11 =	sshll.u32 s11, $0x4  }
0x45: {  	s11 =	sand.u32 $0x1F0, s11;
	s12 =	sadd.s32 s3, s12  }
0x46: {  	s11 =	sadd.s32 s11, s12  }
0x47: {  	[hbm4b:s11+s6] =	stream.strided.scatter [tilespmem:s14], [sflag:$0x2], $0x4000, s7, s6, $0x38;
	[tilespmem:$0x10000] =	vst v63  }
.LBB1_8:
0x48: {  	_ =	sfence.sel $0x180000  }
0x49: {  	s2 =	simm.s32 $0x1;
	[bflag:$0x0] =	sbarrier.arrive $0xFFFF  }
0x4a: {  	s31 =	simm.s32 $0x2;
	[sflag:s2] =	ssyncpa.u1 $0x1  }
0x4b: {  	[sflag:s31] =	ssyncpa.u1 $0x1  }
0x4c: {  	p0 =	sne.s32 s1, $0x0;
	_ =	strace $0x90000047  }
0x4d: {  	s0 =	sadd.s32 @!p0 $0x100000, s0;
	[bflag:$0x2] =	sbarrier.arrive $0xFFFF  }
0x4e: {  	[sflag:s0] =	ssyncadd.tile.s32 @!p0 $0x1;
	_ =	shalt  }
.Lfunc_end1:
_tile_overlayer_lowered:
.L_overlay_start_2:
0x4f: {  	(tag) =	ssettag $0x2  }
0x50: {  	s0 =	rddreg [dreg:$0x0];
	s2 =	stileid.u32  }
0x51: {  	s1 =	rddreg [dreg:$0x1];
	p0 =	sne.s32 s2, $0x0  }
0x52: {  	s3 =	rddreg [dreg:$0x2];
	[bflag:$0x3] =	sbarrier.arrive $0xFFFF;
	s2 =	simm.s32 @!p0 $0x1C01  }
0x53: {  	[timem:s3], [sflag:s2] =	dma.local @!p0 [hbm:s0], s1  }
0x54: {  	s0 =	simm.s32 @!p0 $0x1  }
0x55: {  	_ =	swait.ge @!p0 [sflag:s0], s1  }
0x56: {  	s1 =	ssub.s32 @!p0 $0x0, s1;
	[sflag:s0] =	ssyncset.done @!p0 $0x0  }
0x57: {  	[sflag:s0] =	ssyncadd.s32 @!p0 s1  }
0x58: {  	[bflag:$0x3] =	sbarrier.arrive $0xFFFF  }
0x59: {  	_ =	shalt  }

</sc_bundles>
